<compile_context>
chip_gen: v7x
topology: tpu7x:2x2x1
jax: 0.10.2.dev20260603
libtpu: 0.0.44.dev20260713+nightly
codegen_flags: <defaults>
</compile_context>

<pallas_src>
import functools

import jax
import jax.numpy as jnp
from jax import lax
from jax.experimental import pallas as pl
from jax.experimental.pallas import tpu as pltpu
from jax.experimental.pallas import tpu_sc as plsc

_TOTAL = 4 * 4096 * 2048
_GRP = 2048
_GR = 8
_COLS = 2048
_NW = 32
_UNROLL = 8

_G_SC = 640
_G_W = _G_SC // _NW

_TC_ROW0 = _G_SC * _GR
_TC_BLOCK = 512
_TC_GRID = (_GRP - _G_SC) * _GR // _TC_BLOCK


def _sc_loss_partials(o3, t3):
    mesh = plsc.VectorSubcoreMesh(core_axis_name="c", subcore_axis_name="s")

    @functools.partial(
        pl.kernel,
        mesh=mesh,
        out_type=jax.ShapeDtypeStruct((_NW, 16), jnp.float32),
        scratch_types=[
            pltpu.VMEM((2, _GR, _COLS), jnp.float32),
            pltpu.VMEM((2, _GR, _COLS), jnp.float32),
            pltpu.VMEM((16,), jnp.float32),
            pltpu.SemaphoreType.DMA,
            pltpu.SemaphoreType.DMA,
            pltpu.SemaphoreType.DMA,
            pltpu.SemaphoreType.DMA,
        ],
    )
    def k(o_hbm, t_hbm, out_hbm, o_buf, t_buf, acc_vm, so0, so1, st0, st1):
        wid = lax.axis_index("s") * 2 + lax.axis_index("c")
        g0 = wid * _G_W
        sems_o = (so0, so1)
        sems_t = (st0, st1)

        def copy_o(k_idx, b):
            return pltpu.make_async_copy(
                o_hbm.at[g0 + k_idx], o_buf.at[b], sems_o[b])

        def copy_t(k_idx, b):
            return pltpu.make_async_copy(
                t_hbm.at[g0 + k_idx], t_buf.at[b], sems_t[b])

        def start(k_idx, b):
            copy_o(k_idx, b).start()
            copy_t(k_idx, b).start()

        def wait(k_idx, b):
            copy_o(k_idx, b).wait()
            copy_t(k_idx, b).wait()

        def chunk_sum(b, accs):
            def rbody(r, a_r):
                orow = o_buf.at[b].at[r]
                trow = t_buf.at[b].at[r]

                def vbody(v, a):
                    out = []
                    for u in range(_UNROLL):
                        off = v * _UNROLL * 16 + u * 16
                        o = orow[pl.ds(off, 16)]
                        t = trow[pl.ds(off, 16)]
                        d = jnp.where(jnp.abs(t) > 0.0, o - t, 0.0)
                        out.append(a[u] + d * d)
                    return tuple(out)

                return lax.fori_loop(0, _COLS // (16 * _UNROLL), vbody, a_r)

            return lax.fori_loop(0, _GR, rbody, accs)

        start(0, 0)
        start(1, 1)

        def gbody(gg, accs):
            for b in (0, 1):
                k_idx = 2 * gg + b
                wait(k_idx, b)
                accs = chunk_sum(b, accs)

                @pl.when(k_idx < _G_W - 2)
                def _():
                    start(k_idx + 2, b)

            return accs

        zero = jnp.zeros((16,), jnp.float32)
        accs = lax.fori_loop(0, _G_W // 2, gbody, (zero,) * _UNROLL)

        acc = accs[0]
        for u in range(1, _UNROLL):
            acc = acc + accs[u]
        acc_vm[...] = acc
        pltpu.sync_copy(acc_vm, out_hbm.at[wid])

    return k(o3, t3)


def _tc_body(o_ref, t_ref, out_ref):
    o = o_ref[...]
    t = t_ref[...]
    d = o - t
    sq = jnp.where(jnp.abs(t) > 0.0, d * d, 0.0)
    part = jnp.sum(sq)

    @pl.when(pl.program_id(0) == 0)
    def _():
        out_ref[0, 0] = 0.0

    out_ref[0, 0] += part


def _tc_loss_partial(o2, t2):
    row_blk0 = _TC_ROW0 // _TC_BLOCK
    total = pl.pallas_call(
        _tc_body,
        grid=(_TC_GRID,),
        in_specs=[
            pl.BlockSpec((_TC_BLOCK, _COLS), lambda i: (row_blk0 + i, 0)),
            pl.BlockSpec((_TC_BLOCK, _COLS), lambda i: (row_blk0 + i, 0)),
        ],
        out_specs=pl.BlockSpec(memory_space=pltpu.SMEM),
        out_shape=jax.ShapeDtypeStruct((1, 1), jnp.float32),
    )(o2, t2)
    return total[0, 0]


def kernel(output, target):
    o3 = output.reshape(_GRP, _GR, _COLS)
    t3 = target.reshape(_GRP, _GR, _COLS)
    o2 = output.reshape(_GRP * _GR, _COLS)
    t2 = target.reshape(_GRP * _GR, _COLS)
    sc_partials = _sc_loss_partials(o3, t3)
    tc_partial = _tc_loss_partial(o2, t2)
    return (jnp.sum(sc_partials) + tc_partial) / _TOTAL

# --- scband reference (transcript-rebuilt; emitter-appended) ---
"""Pipeline reference for scband-mask-loss-function-27066883899633 (READ-ONLY COPY).

The authoritative reference and input builder live on the scoring server;
editing this copy changes nothing except your own understanding.
"""

import jax, jax.numpy as jnp
import numpy as np

def setup_inputs(seed: int = 0) -> dict:
    key = jax.random.key(seed)
    k1, k2, k3 = jax.random.split(key, 3)
    output = jax.random.normal(k1, (4, 4096, 2048), dtype=jnp.float32)
    target = jax.random.normal(k2, (4, 4096, 2048), dtype=jnp.float32)
    # make the mask nontrivial: ~30% of target entries are exactly zero
    zero_mask = jax.random.uniform(k3, (4, 4096, 2048)) < 0.3
    target = jnp.where(zero_mask, 0.0, target)
    return {"output": output, "target": target}

def reference(output, target):
    # Mask_LossFunction with lossFunction=MSELoss(reduction='mean'), mode='overwrite',
    # default mask law: mask = abs(target) > 0.
    if output.shape != target.shape:
        raise ValueError(f'CustomLoss forward: Tensors have different sizes ({output.shape} vs {target.shape})')
    mask = jnp.abs(target) > 0.0
    # overwrite mode: where mask is False, replace output with target so those
    # positions contribute zero loss but shapes stay static.
    out2 = jnp.where(mask, output, target)
    loss = jnp.mean((out2 - target) ** 2)
    return loss

if __name__ == "__main__":
    import jax
    _d = setup_inputs()
    print(jax.jit(kernel)(*tuple(_d.values())))

</pallas_src>

<mosaic_0001>
#map = affine_map<(d0, d1) -> (0, 0, 0)>
#map1 = affine_map<(d0, d1) -> (0, 0)>
module attributes {stable_mosaic.version = 14 : i64} {
  func.func @k(%arg0: i32, %arg1: i32, %arg2: memref<2048x8x2048xf32, #tpu.memory_space<hbm>>, %arg3: memref<2048x8x2048xf32, #tpu.memory_space<hbm>>, %arg4: memref<32x16xf32, #tpu.memory_space<hbm>>, %arg5: memref<2x8x2048xf32, #tpu.memory_space<vmem>>, %arg6: memref<2x8x2048xf32, #tpu.memory_space<vmem>>, %arg7: memref<16xf32, #tpu.memory_space<vmem>>, %arg8: memref<!tpu.dma_semaphore, #tpu.memory_space<semaphore_mem>>, %arg9: memref<!tpu.dma_semaphore, #tpu.memory_space<semaphore_mem>>, %arg10: memref<!tpu.dma_semaphore, #tpu.memory_space<semaphore_mem>>, %arg11: memref<!tpu.dma_semaphore, #tpu.memory_space<semaphore_mem>>) attributes {dimension_semantics = [#tpu.dimension_semantics<core_parallel>, #tpu.dimension_semantics<subcore_parallel>], iteration_bounds = array<i64: 2, 16>, scalar_prefetch = 0 : i64, scratch_operands = 7 : i64, tpu.core_type = #tpu.core_type<sc_vector_subcore>, window_params = [{transform_indices = #map}, {transform_indices = #map}, {transform_indices = #map1}]} {
    %mul3A = arith.constant 2 : i32
    %mul3A_0 = arith.muli %arg1, %mul3A : i32
    %add3A = arith.addi %mul3A_0, %arg0 : i32
    %mul3A_1 = arith.constant 20 : i32
    %mul3A_2 = arith.muli %add3A, %mul3A_1 : i32
    %add3A_3 = arith.constant 0 : i32
    %add3A_4 = arith.addi %mul3A_2, %add3A_3 : i32
    %dma_start3A = arith.constant 0 : i32
    %dma_start3A_5 = arith.constant 0 : i32
    %dma_start3A_6 = arith.constant 0 : i32
    %dma_start3A_7 = tpu.memref_slice %arg5[%dma_start3A, %dma_start3A_5, %dma_start3A_6] : memref<2x8x2048xf32, #tpu.memory_space<vmem>> -> memref<1x8x2048xf32, #tpu.memory_space<vmem>>
    %dma_start3A_8 = tpu.memref_squeeze %dma_start3A_7 : memref<1x8x2048xf32, #tpu.memory_space<vmem>> -> memref<8x2048xf32, #tpu.memory_space<vmem>>
    %dma_start3A_9 = arith.constant 0 : i32
    %dma_start3A_10 = arith.constant 0 : i32
    %dma_start3A_11 = tpu.memref_slice %arg2[%add3A_4, %dma_start3A_9, %dma_start3A_10] : memref<2048x8x2048xf32, #tpu.memory_space<hbm>> -> memref<1x8x2048xf32, #tpu.memory_space<hbm>>
    %dma_start3A_12 = tpu.memref_squeeze %dma_start3A_11 : memref<1x8x2048xf32, #tpu.memory_space<hbm>> -> memref<8x2048xf32, #tpu.memory_space<hbm>>
    %dma_start3A_13 = arith.constant 0 : i32
    %dma_start3A_14 = arith.constant 0 : i32
    %dma_start3A_15 = tpu.memref_slice %arg5[%dma_start3A, %dma_start3A_13, %dma_start3A_14] : memref<2x8x2048xf32, #tpu.memory_space<vmem>> -> memref<1x8x2048xf32, #tpu.memory_space<vmem>>
    %dma_start3A_16 = tpu.memref_squeeze %dma_start3A_15 : memref<1x8x2048xf32, #tpu.memory_space<vmem>> -> memref<8x2048xf32, #tpu.memory_space<vmem>>
    %dma_start3A_17 = arith.constant 0 : i32
    %dma_start3A_18 = arith.constant 0 : i32
    %dma_start3A_19 = tpu.memref_slice %arg2[%add3A_4, %dma_start3A_17, %dma_start3A_18] : memref<2048x8x2048xf32, #tpu.memory_space<hbm>> -> memref<1x8x2048xf32, #tpu.memory_space<hbm>>
    %dma_start3A_20 = tpu.memref_squeeze %dma_start3A_19 : memref<1x8x2048xf32, #tpu.memory_space<hbm>> -> memref<8x2048xf32, #tpu.memory_space<hbm>>
    tpu.enqueue_dma source(%dma_start3A_20 : memref<8x2048xf32, #tpu.memory_space<hbm>>) target(%dma_start3A_16 : memref<8x2048xf32, #tpu.memory_space<vmem>>) target_semaphore(%arg8 : memref<!tpu.dma_semaphore, #tpu.memory_space<semaphore_mem>>)
    %add3A_21 = arith.constant 0 : i32
    %add3A_22 = arith.addi %mul3A_2, %add3A_21 : i32
    %dma_start3A_23 = arith.constant 0 : i32
    %dma_start3A_24 = arith.constant 0 : i32
    %dma_start3A_25 = arith.constant 0 : i32
    %dma_start3A_26 = tpu.memref_slice %arg6[%dma_start3A_23, %dma_start3A_24, %dma_start3A_25] : memref<2x8x2048xf32, #tpu.memory_space<vmem>> -> memref<1x8x2048xf32, #tpu.memory_space<vmem>>
    %dma_start3A_27 = tpu.memref_squeeze %dma_start3A_26 : memref<1x8x2048xf32, #tpu.memory_space<vmem>> -> memref<8x2048xf32, #tpu.memory_space<vmem>>
    %dma_start3A_28 = arith.constant 0 : i32
    %dma_start3A_29 = arith.constant 0 : i32
    %dma_start3A_30 = tpu.memref_slice %arg3[%add3A_22, %dma_start3A_28, %dma_start3A_29] : memref<2048x8x2048xf32, #tpu.memory_space<hbm>> -> memref<1x8x2048xf32, #tpu.memory_space<hbm>>
    %dma_start3A_31 = tpu.memref_squeeze %dma_start3A_30 : memref<1x8x2048xf32, #tpu.memory_space<hbm>> -> memref<8x2048xf32, #tpu.memory_space<hbm>>
    %dma_start3A_32 = arith.constant 0 : i32
    %dma_start3A_33 = arith.constant 0 : i32
    %dma_start3A_34 = tpu.memref_slice %arg6[%dma_start3A_23, %dma_start3A_32, %dma_start3A_33] : memref<2x8x2048xf32, #tpu.memory_space<vmem>> -> memref<1x8x2048xf32, #tpu.memory_space<vmem>>
    %dma_start3A_35 = tpu.memref_squeeze %dma_start3A_34 : memref<1x8x2048xf32, #tpu.memory_space<vmem>> -> memref<8x2048xf32, #tpu.memory_space<vmem>>
    %dma_start3A_36 = arith.constant 0 : i32
    %dma_start3A_37 = arith.constant 0 : i32
    %dma_start3A_38 = tpu.memref_slice %arg3[%add3A_22, %dma_start3A_36, %dma_start3A_37] : memref<2048x8x2048xf32, #tpu.memory_space<hbm>> -> memref<1x8x2048xf32, #tpu.memory_space<hbm>>
    %dma_start3A_39 = tpu.memref_squeeze %dma_start3A_38 : memref<1x8x2048xf32, #tpu.memory_space<hbm>> -> memref<8x2048xf32, #tpu.memory_space<hbm>>
    tpu.enqueue_dma source(%dma_start3A_39 : memref<8x2048xf32, #tpu.memory_space<hbm>>) target(%dma_start3A_35 : memref<8x2048xf32, #tpu.memory_space<vmem>>) target_semaphore(%arg10 : memref<!tpu.dma_semaphore, #tpu.memory_space<semaphore_mem>>)
    %add3A_40 = arith.constant 1 : i32
    %add3A_41 = arith.addi %mul3A_2, %add3A_40 : i32
    %dma_start3A_42 = arith.constant 1 : i32
    %dma_start3A_43 = arith.constant 0 : i32
    %dma_start3A_44 = arith.constant 0 : i32
    %dma_start3A_45 = tpu.memref_slice %arg5[%dma_start3A_42, %dma_start3A_43, %dma_start3A_44] : memref<2x8x2048xf32, #tpu.memory_space<vmem>> -> memref<1x8x2048xf32, #tpu.memory_space<vmem>>
    %dma_start3A_46 = tpu.memref_squeeze %dma_start3A_45 : memref<1x8x2048xf32, #tpu.memory_space<vmem>> -> memref<8x2048xf32, #tpu.memory_space<vmem>>
    %dma_start3A_47 = arith.constant 0 : i32
    %dma_start3A_48 = arith.constant 0 : i32
    %dma_start3A_49 = tpu.memref_slice %arg2[%add3A_41, %dma_start3A_47, %dma_start3A_48] : memref<2048x8x2048xf32, #tpu.memory_space<hbm>> -> memref<1x8x2048xf32, #tpu.memory_space<hbm>>
    %dma_start3A_50 = tpu.memref_squeeze %dma_start3A_49 : memref<1x8x2048xf32, #tpu.memory_space<hbm>> -> memref<8x2048xf32, #tpu.memory_space<hbm>>
    %dma_start3A_51 = arith.constant 0 : i32
    %dma_start3A_52 = arith.constant 0 : i32
    %dma_start3A_53 = tpu.memref_slice %arg5[%dma_start3A_42, %dma_start3A_51, %dma_start3A_52] : memref<2x8x2048xf32, #tpu.memory_space<vmem>> -> memref<1x8x2048xf32, #tpu.memory_space<vmem>>
    %dma_start3A_54 = tpu.memref_squeeze %dma_start3A_53 : memref<1x8x2048xf32, #tpu.memory_space<vmem>> -> memref<8x2048xf32, #tpu.memory_space<vmem>>
    %dma_start3A_55 = arith.constant 0 : i32
    %dma_start3A_56 = arith.constant 0 : i32
    %dma_start3A_57 = tpu.memref_slice %arg2[%add3A_41, %dma_start3A_55, %dma_start3A_56] : memref<2048x8x2048xf32, #tpu.memory_space<hbm>> -> memref<1x8x2048xf32, #tpu.memory_space<hbm>>
    %dma_start3A_58 = tpu.memref_squeeze %dma_start3A_57 : memref<1x8x2048xf32, #tpu.memory_space<hbm>> -> memref<8x2048xf32, #tpu.memory_space<hbm>>
    tpu.enqueue_dma source(%dma_start3A_58 : memref<8x2048xf32, #tpu.memory_space<hbm>>) target(%dma_start3A_54 : memref<8x2048xf32, #tpu.memory_space<vmem>>) target_semaphore(%arg9 : memref<!tpu.dma_semaphore, #tpu.memory_space<semaphore_mem>>)
    %add3A_59 = arith.constant 1 : i32
    %add3A_60 = arith.addi %mul3A_2, %add3A_59 : i32
    %dma_start3A_61 = arith.constant 1 : i32
    %dma_start3A_62 = arith.constant 0 : i32
    %dma_start3A_63 = arith.constant 0 : i32
    %dma_start3A_64 = tpu.memref_slice %arg6[%dma_start3A_61, %dma_start3A_62, %dma_start3A_63] : memref<2x8x2048xf32, #tpu.memory_space<vmem>> -> memref<1x8x2048xf32, #tpu.memory_space<vmem>>
    %dma_start3A_65 = tpu.memref_squeeze %dma_start3A_64 : memref<1x8x2048xf32, #tpu.memory_space<vmem>> -> memref<8x2048xf32, #tpu.memory_space<vmem>>
    %dma_start3A_66 = arith.constant 0 : i32
    %dma_start3A_67 = arith.constant 0 : i32
    %dma_start3A_68 = tpu.memref_slice %arg3[%add3A_60, %dma_start3A_66, %dma_start3A_67] : memref<2048x8x2048xf32, #tpu.memory_space<hbm>> -> memref<1x8x2048xf32, #tpu.memory_space<hbm>>
    %dma_start3A_69 = tpu.memref_squeeze %dma_start3A_68 : memref<1x8x2048xf32, #tpu.memory_space<hbm>> -> memref<8x2048xf32, #tpu.memory_space<hbm>>
    %dma_start3A_70 = arith.constant 0 : i32
    %dma_start3A_71 = arith.constant 0 : i32
    %dma_start3A_72 = tpu.memref_slice %arg6[%dma_start3A_61, %dma_start3A_70, %dma_start3A_71] : memref<2x8x2048xf32, #tpu.memory_space<vmem>> -> memref<1x8x2048xf32, #tpu.memory_space<vmem>>
    %dma_start3A_73 = tpu.memref_squeeze %dma_start3A_72 : memref<1x8x2048xf32, #tpu.memory_space<vmem>> -> memref<8x2048xf32, #tpu.memory_space<vmem>>
    %dma_start3A_74 = arith.constant 0 : i32
    %dma_start3A_75 = arith.constant 0 : i32
    %dma_start3A_76 = tpu.memref_slice %arg3[%add3A_60, %dma_start3A_74, %dma_start3A_75] : memref<2048x8x2048xf32, #tpu.memory_space<hbm>> -> memref<1x8x2048xf32, #tpu.memory_space<hbm>>
    %dma_start3A_77 = tpu.memref_squeeze %dma_start3A_76 : memref<1x8x2048xf32, #tpu.memory_space<hbm>> -> memref<8x2048xf32, #tpu.memory_space<hbm>>
    tpu.enqueue_dma source(%dma_start3A_77 : memref<8x2048xf32, #tpu.memory_space<hbm>>) target(%dma_start3A_73 : memref<8x2048xf32, #tpu.memory_space<vmem>>) target_semaphore(%arg11 : memref<!tpu.dma_semaphore, #tpu.memory_space<semaphore_mem>>)
    %broadcast_in_dim3A = arith.constant 0.000000e+00 : f32
    %broadcast_in_dim3A_78 = vector.broadcast %broadcast_in_dim3A : f32 to vector<16xf32>
    %scan3A = arith.constant 0 : i32
    %scan3A_79 = arith.constant 10 : i32
    %scan3A_80 = arith.addi %scan3A, %scan3A_79 : i32
    %scan3A_81 = arith.constant 1 : i32
    %scan3A_82:8 = scf.for %scan3A_94 = %scan3A to %scan3A_80 step %scan3A_81 iter_args(%scan3A_95 = %broadcast_in_dim3A_78, %scan3A_96 = %broadcast_in_dim3A_78, %scan3A_97 = %broadcast_in_dim3A_78, %scan3A_98 = %broadcast_in_dim3A_78, %scan3A_99 = %broadcast_in_dim3A_78, %scan3A_100 = %broadcast_in_dim3A_78, %scan3A_101 = %broadcast_in_dim3A_78, %scan3A_102 = %broadcast_in_dim3A_78) -> (vector<16xf32>, vector<16xf32>, vector<16xf32>, vector<16xf32>, vector<16xf32>, vector<16xf32>, vector<16xf32>, vector<16xf32>)  : i32 {
      %mul3A_103 = arith.constant 2 : i32
      %mul3A_104 = arith.muli %mul3A_103, %scan3A_94 : i32
      %add3A_105 = arith.constant 0 : i32
      %add3A_106 = arith.addi %mul3A_104, %add3A_105 : i32
      %add3A_107 = arith.addi %mul3A_2, %add3A_106 : i32
      %dma_wait3A = arith.constant 0 : i32
      %dma_wait3A_108 = arith.constant 0 : i32
      %dma_wait3A_109 = arith.constant 0 : i32
      %dma_wait3A_110 = tpu.memref_slice %arg5[%dma_wait3A, %dma_wait3A_108, %dma_wait3A_109] : memref<2x8x2048xf32, #tpu.memory_space<vmem>> -> memref<1x8x2048xf32, #tpu.memory_space<vmem>>
      %dma_wait3A_111 = tpu.memref_squeeze %dma_wait3A_110 : memref<1x8x2048xf32, #tpu.memory_space<vmem>> -> memref<8x2048xf32, #tpu.memory_space<vmem>>
      %dma_wait3A_112 = arith.constant 0 : i32
      %dma_wait3A_113 = arith.constant 0 : i32
      %dma_wait3A_114 = tpu.memref_slice %arg2[%add3A_107, %dma_wait3A_112, %dma_wait3A_113] : memref<2048x8x2048xf32, #tpu.memory_space<hbm>> -> memref<1x8x2048xf32, #tpu.memory_space<hbm>>
      %dma_wait3A_115 = tpu.memref_squeeze %dma_wait3A_114 : memref<1x8x2048xf32, #tpu.memory_space<hbm>> -> memref<8x2048xf32, #tpu.memory_space<hbm>>
      %dma_wait3A_116 = arith.constant 0 : i32
      %dma_wait3A_117 = arith.constant 0 : i32
      %dma_wait3A_118 = tpu.memref_slice %arg5[%dma_wait3A, %dma_wait3A_116, %dma_wait3A_117] : memref<2x8x2048xf32, #tpu.memory_space<vmem>> -> memref<1x8x2048xf32, #tpu.memory_space<vmem>>
      %dma_wait3A_119 = tpu.memref_squeeze %dma_wait3A_118 : memref<1x8x2048xf32, #tpu.memory_space<vmem>> -> memref<8x2048xf32, #tpu.memory_space<vmem>>
      %dma_wait3A_120 = arith.constant 0 : i32
      %dma_wait3A_121 = arith.constant 0 : i32
      %dma_wait3A_122 = tpu.memref_slice %arg2[%add3A_107, %dma_wait3A_120, %dma_wait3A_121] : memref<2048x8x2048xf32, #tpu.memory_space<hbm>> -> memref<1x8x2048xf32, #tpu.memory_space<hbm>>
      %dma_wait3A_123 = tpu.memref_squeeze %dma_wait3A_122 : memref<1x8x2048xf32, #tpu.memory_space<hbm>> -> memref<8x2048xf32, #tpu.memory_space<hbm>>
      tpu.wait_dma2 semaphore(%arg8 : memref<!tpu.dma_semaphore, #tpu.memory_space<semaphore_mem>>) src(%dma_wait3A_123 : memref<8x2048xf32, #tpu.memory_space<hbm>>) dst(%dma_wait3A_119 : memref<8x2048xf32, #tpu.memory_space<vmem>>)
      %add3A_124 = arith.addi %mul3A_2, %add3A_106 : i32
      %dma_wait3A_125 = arith.constant 0 : i32
      %dma_wait3A_126 = arith.constant 0 : i32
      %dma_wait3A_127 = arith.constant 0 : i32
      %dma_wait3A_128 = tpu.memref_slice %arg6[%dma_wait3A_125, %dma_wait3A_126, %dma_wait3A_127] : memref<2x8x2048xf32, #tpu.memory_space<vmem>> -> memref<1x8x2048xf32, #tpu.memory_space<vmem>>
      %dma_wait3A_129 = tpu.memref_squeeze %dma_wait3A_128 : memref<1x8x2048xf32, #tpu.memory_space<vmem>> -> memref<8x2048xf32, #tpu.memory_space<vmem>>
      %dma_wait3A_130 = arith.constant 0 : i32
      %dma_wait3A_131 = arith.constant 0 : i32
      %dma_wait3A_132 = tpu.memref_slice %arg3[%add3A_124, %dma_wait3A_130, %dma_wait3A_131] : memref<2048x8x2048xf32, #tpu.memory_space<hbm>> -> memref<1x8x2048xf32, #tpu.memory_space<hbm>>
      %dma_wait3A_133 = tpu.memref_squeeze %dma_wait3A_132 : memref<1x8x2048xf32, #tpu.memory_space<hbm>> -> memref<8x2048xf32, #tpu.memory_space<hbm>>
      %dma_wait3A_134 = arith.constant 0 : i32
      %dma_wait3A_135 = arith.constant 0 : i32
      %dma_wait3A_136 = tpu.memref_slice %arg6[%dma_wait3A_125, %dma_wait3A_134, %dma_wait3A_135] : memref<2x8x2048xf32, #tpu.memory_space<vmem>> -> memref<1x8x2048xf32, #tpu.memory_space<vmem>>
      %dma_wait3A_137 = tpu.memref_squeeze %dma_wait3A_136 : memref<1x8x2048xf32, #tpu.memory_space<vmem>> -> memref<8x2048xf32, #tpu.memory_space<vmem>>
      %dma_wait3A_138 = arith.constant 0 : i32
      %dma_wait3A_139 = arith.constant 0 : i32
      %dma_wait3A_140 = tpu.memref_slice %arg3[%add3A_124, %dma_wait3A_138, %dma_wait3A_139] : memref<2048x8x2048xf32, #tpu.memory_space<hbm>> -> memref<1x8x2048xf32, #tpu.memory_space<hbm>>
      %dma_wait3A_141 = tpu.memref_squeeze %dma_wait3A_140 : memref<1x8x2048xf32, #tpu.memory_space<hbm>> -> memref<8x2048xf32, #tpu.memory_space<hbm>>
      tpu.wait_dma2 semaphore(%arg10 : memref<!tpu.dma_semaphore, #tpu.memory_space<semaphore_mem>>) src(%dma_wait3A_141 : memref<8x2048xf32, #tpu.memory_space<hbm>>) dst(%dma_wait3A_137 : memref<8x2048xf32, #tpu.memory_space<vmem>>)
      %scan3A_142 = arith.constant 0 : i32
      %scan3A_143 = arith.constant 8 : i32
      %scan3A_144 = arith.addi %scan3A_142, %scan3A_143 : i32
      %scan3A_145 = arith.constant 1 : i32
      %scan3A_146:8 = scf.for %scan3A_201 = %scan3A_142 to %scan3A_144 step %scan3A_145 iter_args(%scan3A_202 = %scan3A_95, %scan3A_203 = %scan3A_96, %scan3A_204 = %scan3A_97, %scan3A_205 = %scan3A_98, %scan3A_206 = %scan3A_99, %scan3A_207 = %scan3A_100, %scan3A_208 = %scan3A_101, %scan3A_209 = %scan3A_102) -> (vector<16xf32>, vector<16xf32>, vector<16xf32>, vector<16xf32>, vector<16xf32>, vector<16xf32>, vector<16xf32>, vector<16xf32>)  : i32 {
        %scan3A_210 = arith.constant 0 : i32
        %scan3A_211 = arith.constant 0 : i32
        %scan3A_212 = arith.constant 0 : i32
        %scan3A_213 = arith.constant 16 : i32
        %scan3A_214 = arith.addi %scan3A_212, %scan3A_213 : i32
        %scan3A_215 = arith.constant 1 : i32
        %scan3A_216:8 = scf.for %scan3A_218 = %scan3A_212 to %scan3A_214 step %scan3A_215 iter_args(%scan3A_219 = %scan3A_202, %scan3A_220 = %scan3A_203, %scan3A_221 = %scan3A_204, %scan3A_222 = %scan3A_205, %scan3A_223 = %scan3A_206, %scan3A_224 = %scan3A_207, %scan3A_225 = %scan3A_208, %scan3A_226 = %scan3A_209) -> (vector<16xf32>, vector<16xf32>, vector<16xf32>, vector<16xf32>, vector<16xf32>, vector<16xf32>, vector<16xf32>, vector<16xf32>)  : i32 {
          %mul3A_227 = arith.constant 8 : i32
          %mul3A_228 = arith.muli %scan3A_218, %mul3A_227 : i32
          %mul3A_229 = arith.constant 16 : i32
          %mul3A_230 = arith.muli %mul3A_228, %mul3A_229 : i32
          %add3A_231 = arith.constant 0 : i32
          %add3A_232 = arith.addi %mul3A_230, %add3A_231 : i32
          %get3A = arith.constant 0 : i32
          %get3A_233 = arith.constant 0 : i32
          %get3A_234 = tpu.memref_slice %arg5[%scan3A_210, %get3A, %get3A_233] : memref<2x8x2048xf32, #tpu.memory_space<vmem>> -> memref<1x8x2048xf32, #tpu.memory_space<vmem>>
          %get3A_235 = tpu.memref_squeeze %get3A_234 : memref<1x8x2048xf32, #tpu.memory_space<vmem>> -> memref<8x2048xf32, #tpu.memory_space<vmem>>
          %get3A_236 = arith.constant 0 : i32
          %get3A_237 = tpu.memref_slice %get3A_235[%scan3A_201, %get3A_236] : memref<8x2048xf32, #tpu.memory_space<vmem>> -> memref<1x2048xf32, #tpu.memory_space<vmem>>
          %get3A_238 = tpu.memref_squeeze %get3A_237 : memref<1x2048xf32, #tpu.memory_space<vmem>> -> memref<2048xf32, #tpu.memory_space<vmem>>
          %get3A_239 = arith.index_cast %add3A_232 : i32 to index
          %get3A_240 = tpu.vector_load %get3A_238[%get3A_239] {strides = array<i32>} : memref<2048xf32, #tpu.memory_space<vmem>>, vector<16xf32>,
          %get3A_241 = vector.shape_cast %get3A_240 : vector<16xf32> to vector<16xf32>
          %get3A_242 = arith.constant 0 : i32
          %get3A_243 = arith.constant 0 : i32
          %get3A_244 = tpu.memref_slice %arg6[%scan3A_211, %get3A_242, %get3A_243] : memref<2x8x2048xf32, #tpu.memory_space<vmem>> -> memref<1x8x2048xf32, #tpu.memory_space<vmem>>
          %get3A_245 = tpu.memref_squeeze %get3A_244 : memref<1x8x2048xf32, #tpu.memory_space<vmem>> -> memref<8x2048xf32, #tpu.memory_space<vmem>>
          %get3A_246 = arith.constant 0 : i32
          %get3A_247 = tpu.memref_slice %get3A_245[%scan3A_201, %get3A_246] : memref<8x2048xf32, #tpu.memory_space<vmem>> -> memref<1x2048xf32, #tpu.memory_space<vmem>>
          %get3A_248 = tpu.memref_squeeze %get3A_247 : memref<1x2048xf32, #tpu.memory_space<vmem>> -> memref<2048xf32, #tpu.memory_space<vmem>>
          %get3A_249 = arith.index_cast %add3A_232 : i32 to index
          %get3A_250 = tpu.vector_load %get3A_248[%get3A_249] {strides = array<i32>} : memref<2048xf32, #tpu.memory_space<vmem>>, vector<16xf32>,
          %get3A_251 = vector.shape_cast %get3A_250 : vector<16xf32> to vector<16xf32>
          %abs3A = math.absf %get3A_251 : vector<16xf32>
          %gt3A = arith.constant 0.000000e+00 : f32
          %gt3A_252 = vector.broadcast %gt3A : f32 to vector<16xf32>
          %gt3A_253 = arith.cmpf ogt, %abs3A, %gt3A_252 : vector<16xf32>
          %sub3A = arith.subf %get3A_241, %get3A_251 : vector<16xf32>
          %jit3A = arith.constant 0.000000e+00 : f32
          %broadcast_in_dim3A_254 = vector.broadcast %jit3A : f32 to vector<16xf32>
          %select_n3A = arith.select %gt3A_253, %sub3A, %broadcast_in_dim3A_254 : vector<16xi1>, vector<16xf32>
          %mul3A_255 = arith.mulf %select_n3A, %select_n3A : vector<16xf32>
          %add3A_256 = arith.addf %scan3A_219, %mul3A_255 : vector<16xf32>
          %mul3A_257 = arith.constant 8 : i32
          %mul3A_258 = arith.muli %scan3A_218, %mul3A_257 : i32
          %mul3A_259 = arith.constant 16 : i32
          %mul3A_260 = arith.muli %mul3A_258, %mul3A_259 : i32
          %add3A_261 = arith.constant 16 : i32
          %add3A_262 = arith.addi %mul3A_260, %add3A_261 : i32
          %get3A_263 = arith.constant 0 : i32
          %get3A_264 = arith.constant 0 : i32
          %get3A_265 = tpu.memref_slice %arg5[%scan3A_210, %get3A_263, %get3A_264] : memref<2x8x2048xf32, #tpu.memory_space<vmem>> -> memref<1x8x2048xf32, #tpu.memory_space<vmem>>
          %get3A_266 = tpu.memref_squeeze %get3A_265 : memref<1x8x2048xf32, #tpu.memory_space<vmem>> -> memref<8x2048xf32, #tpu.memory_space<vmem>>
          %get3A_267 = arith.constant 0 : i32
          %get3A_268 = tpu.memref_slice %get3A_266[%scan3A_201, %get3A_267] : memref<8x2048xf32, #tpu.memory_space<vmem>> -> memref<1x2048xf32, #tpu.memory_space<vmem>>
          %get3A_269 = tpu.memref_squeeze %get3A_268 : memref<1x2048xf32, #tpu.memory_space<vmem>> -> memref<2048xf32, #tpu.memory_space<vmem>>
          %get3A_270 = arith.index_cast %add3A_262 : i32 to index
          %get3A_271 = tpu.vector_load %get3A_269[%get3A_270] {strides = array<i32>} : memref<2048xf32, #tpu.memory_space<vmem>>, vector<16xf32>,
          %get3A_272 = vector.shape_cast %get3A_271 : vector<16xf32> to vector<16xf32>
          %get3A_273 = arith.constant 0 : i32
          %get3A_274 = arith.constant 0 : i32
          %get3A_275 = tpu.memref_slice %arg6[%scan3A_211, %get3A_273, %get3A_274] : memref<2x8x2048xf32, #tpu.memory_space<vmem>> -> memref<1x8x2048xf32, #tpu.memory_space<vmem>>
          %get3A_276 = tpu.memref_squeeze %get3A_275 : memref<1x8x2048xf32, #tpu.memory_space<vmem>> -> memref<8x2048xf32, #tpu.memory_space<vmem>>
          %get3A_277 = arith.constant 0 : i32
          %get3A_278 = tpu.memref_slice %get3A_276[%scan3A_201, %get3A_277] : memref<8x2048xf32, #tpu.memory_space<vmem>> -> memref<1x2048xf32, #tpu.memory_space<vmem>>
          %get3A_279 = tpu.memref_squeeze %get3A_278 : memref<1x2048xf32, #tpu.memory_space<vmem>> -> memref<2048xf32, #tpu.memory_space<vmem>>
          %get3A_280 = arith.index_cast %add3A_262 : i32 to index
          %get3A_281 = tpu.vector_load %get3A_279[%get3A_280] {strides = array<i32>} : memref<2048xf32, #tpu.memory_space<vmem>>, vector<16xf32>,
          %get3A_282 = vector.shape_cast %get3A_281 : vector<16xf32> to vector<16xf32>
          %abs3A_283 = math.absf %get3A_282 : vector<16xf32>
          %gt3A_284 = arith.constant 0.000000e+00 : f32
          %gt3A_285 = vector.broadcast %gt3A_284 : f32 to vector<16xf32>
          %gt3A_286 = arith.cmpf ogt, %abs3A_283, %gt3A_285 : vector<16xf32>
          %sub3A_287 = arith.subf %get3A_272, %get3A_282 : vector<16xf32>
          %jit3A_288 = arith.constant 0.000000e+00 : f32
          %broadcast_in_dim3A_289 = vector.broadcast %jit3A_288 : f32 to vector<16xf32>
          %select_n3A_290 = arith.select %gt3A_286, %sub3A_287, %broadcast_in_dim3A_289 : vector<16xi1>, vector<16xf32>
          %mul3A_291 = arith.mulf %select_n3A_290, %select_n3A_290 : vector<16xf32>
          %add3A_292 = arith.addf %scan3A_220, %mul3A_291 : vector<16xf32>
          %mul3A_293 = arith.constant 8 : i32
          %mul3A_294 = arith.muli %scan3A_218, %mul3A_293 : i32
          %mul3A_295 = arith.constant 16 : i32
          %mul3A_296 = arith.muli %mul3A_294, %mul3A_295 : i32
          %add3A_297 = arith.constant 32 : i32
          %add3A_298 = arith.addi %mul3A_296, %add3A_297 : i32
          %get3A_299 = arith.constant 0 : i32
          %get3A_300 = arith.constant 0 : i32
          %get3A_301 = tpu.memref_slice %arg5[%scan3A_210, %get3A_299, %get3A_300] : memref<2x8x2048xf32, #tpu.memory_space<vmem>> -> memref<1x8x2048xf32, #tpu.memory_space<vmem>>
          %get3A_302 = tpu.memref_squeeze %get3A_301 : memref<1x8x2048xf32, #tpu.memory_space<vmem>> -> memref<8x2048xf32, #tpu.memory_space<vmem>>
          %get3A_303 = arith.constant 0 : i32
          %get3A_304 = tpu.memref_slice %get3A_302[%scan3A_201, %get3A_303] : memref<8x2048xf32, #tpu.memory_space<vmem>> -> memref<1x2048xf32, #tpu.memory_space<vmem>>
          %get3A_305 = tpu.memref_squeeze %get3A_304 : memref<1x2048xf32, #tpu.memory_space<vmem>> -> memref<2048xf32, #tpu.memory_space<vmem>>
          %get3A_306 = arith.index_cast %add3A_298 : i32 to index
          %get3A_307 = tpu.vector_load %get3A_305[%get3A_306] {strides = array<i32>} : memref<2048xf32, #tpu.memory_space<vmem>>, vector<16xf32>,
          %get3A_308 = vector.shape_cast %get3A_307 : vector<16xf32> to vector<16xf32>
          %get3A_309 = arith.constant 0 : i32
          %get3A_310 = arith.constant 0 : i32
          %get3A_311 = tpu.memref_slice %arg6[%scan3A_211, %get3A_309, %get3A_310] : memref<2x8x2048xf32, #tpu.memory_space<vmem>> -> memref<1x8x2048xf32, #tpu.memory_space<vmem>>
          %get3A_312 = tpu.memref_squeeze %get3A_311 : memref<1x8x2048xf32, #tpu.memory_space<vmem>> -> memref<8x2048xf32, #tpu.memory_space<vmem>>
          %get3A_313 = arith.constant 0 : i32
          %get3A_314 = tpu.memref_slice %get3A_312[%scan3A_201, %get3A_313] : memref<8x2048xf32, #tpu.memory_space<vmem>> -> memref<1x2048xf32, #tpu.memory_space<vmem>>
          %get3A_315 = tpu.memref_squeeze %get3A_314 : memref<1x2048xf32, #tpu.memory_space<vmem>> -> memref<2048xf32, #tpu.memory_space<vmem>>
          %get3A_316 = arith.index_cast %add3A_298 : i32 to index
          %get3A_317 = tpu.vector_load %get3A_315[%get3A_316] {strides = array<i32>} : memref<2048xf32, #tpu.memory_space<vmem>>, vector<16xf32>,
          %get3A_318 = vector.shape_cast %get3A_317 : vector<16xf32> to vector<16xf32>
          %abs3A_319 = math.absf %get3A_318 : vector<16xf32>
          %gt3A_320 = arith.constant 0.000000e+00 : f32
          %gt3A_321 = vector.broadcast %gt3A_320 : f32 to vector<16xf32>
          %gt3A_322 = arith.cmpf ogt, %abs3A_319, %gt3A_321 : vector<16xf32>
          %sub3A_323 = arith.subf %get3A_308, %get3A_318 : vector<16xf32>
          %jit3A_324 = arith.constant 0.000000e+00 : f32
          %broadcast_in_dim3A_325 = vector.broadcast %jit3A_324 : f32 to vector<16xf32>
          %select_n3A_326 = arith.select %gt3A_322, %sub3A_323, %broadcast_in_dim3A_325 : vector<16xi1>, vector<16xf32>
          %mul3A_327 = arith.mulf %select_n3A_326, %select_n3A_326 : vector<16xf32>
          %add3A_328 = arith.addf %scan3A_221, %mul3A_327 : vector<16xf32>
          %mul3A_329 = arith.constant 8 : i32
          %mul3A_330 = arith.muli %scan3A_218, %mul3A_329 : i32
          %mul3A_331 = arith.constant 16 : i32
          %mul3A_332 = arith.muli %mul3A_330, %mul3A_331 : i32
          %add3A_333 = arith.constant 48 : i32
          %add3A_334 = arith.addi %mul3A_332, %add3A_333 : i32
          %get3A_335 = arith.constant 0 : i32
          %get3A_336 = arith.constant 0 : i32
          %get3A_337 = tpu.memref_slice %arg5[%scan3A_210, %get3A_335, %get3A_336] : memref<2x8x2048xf32, #tpu.memory_space<vmem>> -> memref<1x8x2048xf32, #tpu.memory_space<vmem>>
          %get3A_338 = tpu.memref_squeeze %get3A_337 : memref<1x8x2048xf32, #tpu.memory_space<vmem>> -> memref<8x2048xf32, #tpu.memory_space<vmem>>
          %get3A_339 = arith.constant 0 : i32
          %get3A_340 = tpu.memref_slice %get3A_338[%scan3A_201, %get3A_339] : memref<8x2048xf32, #tpu.memory_space<vmem>> -> memref<1x2048xf32, #tpu.memory_space<vmem>>
          %get3A_341 = tpu.memref_squeeze %get3A_340 : memref<1x2048xf32, #tpu.memory_space<vmem>> -> memref<2048xf32, #tpu.memory_space<vmem>>
          %get3A_342 = arith.index_cast %add3A_334 : i32 to index
          %get3A_343 = tpu.vector_load %get3A_341[%get3A_342] {strides = array<i32>} : memref<2048xf32, #tpu.memory_space<vmem>>, vector<16xf32>,
          %get3A_344 = vector.shape_cast %get3A_343 : vector<16xf32> to vector<16xf32>
          %get3A_345 = arith.constant 0 : i32
          %get3A_346 = arith.constant 0 : i32
          %get3A_347 = tpu.memref_slice %arg6[%scan3A_211, %get3A_345, %get3A_346] : memref<2x8x2048xf32, #tpu.memory_space<vmem>> -> memref<1x8x2048xf32, #tpu.memory_space<vmem>>
          %get3A_348 = tpu.memref_squeeze %get3A_347 : memref<1x8x2048xf32, #tpu.memory_space<vmem>> -> memref<8x2048xf32, #tpu.memory_space<vmem>>
          %get3A_349 = arith.constant 0 : i32
          %get3A_350 = tpu.memref_slice %get3A_348[%scan3A_201, %get3A_349] : memref<8x2048xf32, #tpu.memory_space<vmem>> -> memref<1x2048xf32, #tpu.memory_space<vmem>>
          %get3A_351 = tpu.memref_squeeze %get3A_350 : memref<1x2048xf32, #tpu.memory_space<vmem>> -> memref<2048xf32, #tpu.memory_space<vmem>>
          %get3A_352 = arith.index_cast %add3A_334 : i32 to index
          %get3A_353 = tpu.vector_load %get3A_351[%get3A_352] {strides = array<i32>} : memref<2048xf32, #tpu.memory_space<vmem>>, vector<16xf32>,
          %get3A_354 = vector.shape_cast %get3A_353 : vector<16xf32> to vector<16xf32>
          %abs3A_355 = math.absf %get3A_354 : vector<16xf32>
          %gt3A_356 = arith.constant 0.000000e+00 : f32
          %gt3A_357 = vector.broadcast %gt3A_356 : f32 to vector<16xf32>
          %gt3A_358 = arith.cmpf ogt, %abs3A_355, %gt3A_357 : vector<16xf32>
          %sub3A_359 = arith.subf %get3A_344, %get3A_354 : vector<16xf32>
          %jit3A_360 = arith.constant 0.000000e+00 : f32
          %broadcast_in_dim3A_361 = vector.broadcast %jit3A_360 : f32 to vector<16xf32>
          %select_n3A_362 = arith.select %gt3A_358, %sub3A_359, %broadcast_in_dim3A_361 : vector<16xi1>, vector<16xf32>
          %mul3A_363 = arith.mulf %select_n3A_362, %select_n3A_362 : vector<16xf32>
          %add3A_364 = arith.addf %scan3A_222, %mul3A_363 : vector<16xf32>
          %mul3A_365 = arith.constant 8 : i32
          %mul3A_366 = arith.muli %scan3A_218, %mul3A_365 : i32
          %mul3A_367 = arith.constant 16 : i32
          %mul3A_368 = arith.muli %mul3A_366, %mul3A_367 : i32
          %add3A_369 = arith.constant 64 : i32
          %add3A_370 = arith.addi %mul3A_368, %add3A_369 : i32
          %get3A_371 = arith.constant 0 : i32
          %get3A_372 = arith.constant 0 : i32
          %get3A_373 = tpu.memref_slice %arg5[%scan3A_210, %get3A_371, %get3A_372] : memref<2x8x2048xf32, #tpu.memory_space<vmem>> -> memref<1x8x2048xf32, #tpu.memory_space<vmem>>
          %get3A_374 = tpu.memref_squeeze %get3A_373 : memref<1x8x2048xf32, #tpu.memory_space<vmem>> -> memref<8x2048xf32, #tpu.memory_space<vmem>>
          %get3A_375 = arith.constant 0 : i32
          %get3A_376 = tpu.memref_slice %get3A_374[%scan3A_201, %get3A_375] : memref<8x2048xf32, #tpu.memory_space<vmem>> -> memref<1x2048xf32, #tpu.memory_space<vmem>>
          %get3A_377 = tpu.memref_squeeze %get3A_376 : memref<1x2048xf32, #tpu.memory_space<vmem>> -> memref<2048xf32, #tpu.memory_space<vmem>>
          %get3A_378 = arith.index_cast %add3A_370 : i32 to index
          %get3A_379 = tpu.vector_load %get3A_377[%get3A_378] {strides = array<i32>} : memref<2048xf32, #tpu.memory_space<vmem>>, vector<16xf32>,
          %get3A_380 = vector.shape_cast %get3A_379 : vector<16xf32> to vector<16xf32>
          %get3A_381 = arith.constant 0 : i32
          %get3A_382 = arith.constant 0 : i32
          %get3A_383 = tpu.memref_slice %arg6[%scan3A_211, %get3A_381, %get3A_382] : memref<2x8x2048xf32, #tpu.memory_space<vmem>> -> memref<1x8x2048xf32, #tpu.memory_space<vmem>>
          %get3A_384 = tpu.memref_squeeze %get3A_383 : memref<1x8x2048xf32, #tpu.memory_space<vmem>> -> memref<8x2048xf32, #tpu.memory_space<vmem>>
          %get3A_385 = arith.constant 0 : i32
          %get3A_386 = tpu.memref_slice %get3A_384[%scan3A_201, %get3A_385] : memref<8x2048xf32, #tpu.memory_space<vmem>> -> memref<1x2048xf32, #tpu.memory_space<vmem>>
          %get3A_387 = tpu.memref_squeeze %get3A_386 : memref<1x2048xf32, #tpu.memory_space<vmem>> -> memref<2048xf32, #tpu.memory_space<vmem>>
          %get3A_388 = arith.index_cast %add3A_370 : i32 to index
          %get3A_389 = tpu.vector_load %get3A_387[%get3A_388] {strides = array<i32>} : memref<2048xf32, #tpu.memory_space<vmem>>, vector<16xf32>,
          %get3A_390 = vector.shape_cast %get3A_389 : vector<16xf32> to vector<16xf32>
          %abs3A_391 = math.absf %get3A_390 : vector<16xf32>
          %gt3A_392 = arith.constant 0.000000e+00 : f32
          %gt3A_393 = vector.broadcast %gt3A_392 : f32 to vector<16xf32>
          %gt3A_394 = arith.cmpf ogt, %abs3A_391, %gt3A_393 : vector<16xf32>
          %sub3A_395 = arith.subf %get3A_380, %get3A_390 : vector<16xf32>
          %jit3A_396 = arith.constant 0.000000e+00 : f32
          %broadcast_in_dim3A_397 = vector.broadcast %jit3A_396 : f32 to vector<16xf32>
          %select_n3A_398 = arith.select %gt3A_394, %sub3A_395, %broadcast_in_dim3A_397 : vector<16xi1>, vector<16xf32>
          %mul3A_399 = arith.mulf %select_n3A_398, %select_n3A_398 : vector<16xf32>
          %add3A_400 = arith.addf %scan3A_223, %mul3A_399 : vector<16xf32>
          %mul3A_401 = arith.constant 8 : i32
          %mul3A_402 = arith.muli %scan3A_218, %mul3A_401 : i32
          %mul3A_403 = arith.constant 16 : i32
          %mul3A_404 = arith.muli %mul3A_402, %mul3A_403 : i32
          %add3A_405 = arith.constant 80 : i32
          %add3A_406 = arith.addi %mul3A_404, %add3A_405 : i32
          %get3A_407 = arith.constant 0 : i32
          %get3A_408 = arith.constant 0 : i32
          %get3A_409 = tpu.memref_slice %arg5[%scan3A_210, %get3A_407, %get3A_408] : memref<2x8x2048xf32, #tpu.memory_space<vmem>> -> memref<1x8x2048xf32, #tpu.memory_space<vmem>>
          %get3A_410 = tpu.memref_squeeze %get3A_409 : memref<1x8x2048xf32, #tpu.memory_space<vmem>> -> memref<8x2048xf32, #tpu.memory_space<vmem>>
          %get3A_411 = arith.constant 0 : i32
          %get3A_412 = tpu.memref_slice %get3A_410[%scan3A_201, %get3A_411] : memref<8x2048xf32, #tpu.memory_space<vmem>> -> memref<1x2048xf32, #tpu.memory_space<vmem>>
          %get3A_413 = tpu.memref_squeeze %get3A_412 : memref<1x2048xf32, #tpu.memory_space<vmem>> -> memref<2048xf32, #tpu.memory_space<vmem>>
          %get3A_414 = arith.index_cast %add3A_406 : i32 to index
          %get3A_415 = tpu.vector_load %get3A_413[%get3A_414] {strides = array<i32>} : memref<2048xf32, #tpu.memory_space<vmem>>, vector<16xf32>,
          %get3A_416 = vector.shape_cast %get3A_415 : vector<16xf32> to vector<16xf32>
          %get3A_417 = arith.constant 0 : i32
          %get3A_418 = arith.constant 0 : i32
          %get3A_419 = tpu.memref_slice %arg6[%scan3A_211, %get3A_417, %get3A_418] : memref<2x8x2048xf32, #tpu.memory_space<vmem>> -> memref<1x8x2048xf32, #tpu.memory_space<vmem>>
          %get3A_420 = tpu.memref_squeeze %get3A_419 : memref<1x8x2048xf32, #tpu.memory_space<vmem>> -> memref<8x2048xf32, #tpu.memory_space<vmem>>
          %get3A_421 = arith.constant 0 : i32
          %get3A_422 = tpu.memref_slice %get3A_420[%scan3A_201, %get3A_421] : memref<8x2048xf32, #tpu.memory_space<vmem>> -> memref<1x2048xf32, #tpu.memory_space<vmem>>
          %get3A_423 = tpu.memref_squeeze %get3A_422 : memref<1x2048xf32, #tpu.memory_space<vmem>> -> memref<2048xf32, #tpu.memory_space<vmem>>
          %get3A_424 = arith.index_cast %add3A_406 : i32 to index
          %get3A_425 = tpu.vector_load %get3A_423[%get3A_424] {strides = array<i32>} : memref<2048xf32, #tpu.memory_space<vmem>>, vector<16xf32>,
          %get3A_426 = vector.shape_cast %get3A_425 : vector<16xf32> to vector<16xf32>
          %abs3A_427 = math.absf %get3A_426 : vector<16xf32>
          %gt3A_428 = arith.constant 0.000000e+00 : f32
          %gt3A_429 = vector.broadcast %gt3A_428 : f32 to vector<16xf32>
          %gt3A_430 = arith.cmpf ogt, %abs3A_427, %gt3A_429 : vector<16xf32>
          %sub3A_431 = arith.subf %get3A_416, %get3A_426 : vector<16xf32>
          %jit3A_432 = arith.constant 0.000000e+00 : f32
          %broadcast_in_dim3A_433 = vector.broadcast %jit3A_432 : f32 to vector<16xf32>
          %select_n3A_434 = arith.select %gt3A_430, %sub3A_431, %broadcast_in_dim3A_433 : vector<16xi1>, vector<16xf32>
          %mul3A_435 = arith.mulf %select_n3A_434, %select_n3A_434 : vector<16xf32>
          %add3A_436 = arith.addf %scan3A_224, %mul3A_435 : vector<16xf32>
          %mul3A_437 = arith.constant 8 : i32
          %mul3A_438 = arith.muli %scan3A_218, %mul3A_437 : i32
          %mul3A_439 = arith.constant 16 : i32
          %mul3A_440 = arith.muli %mul3A_438, %mul3A_439 : i32
          %add3A_441 = arith.constant 96 : i32
          %add3A_442 = arith.addi %mul3A_440, %add3A_441 : i32
          %get3A_443 = arith.constant 0 : i32
          %get3A_444 = arith.constant 0 : i32
          %get3A_445 = tpu.memref_slice %arg5[%scan3A_210, %get3A_443, %get3A_444] : memref<2x8x2048xf32, #tpu.memory_space<vmem>> -> memref<1x8x2048xf32, #tpu.memory_space<vmem>>
          %get3A_446 = tpu.memref_squeeze %get3A_445 : memref<1x8x2048xf32, #tpu.memory_space<vmem>> -> memref<8x2048xf32, #tpu.memory_space<vmem>>
          %get3A_447 = arith.constant 0 : i32
          %get3A_448 = tpu.memref_slice %get3A_446[%scan3A_201, %get3A_447] : memref<8x2048xf32, #tpu.memory_space<vmem>> -> memref<1x2048xf32, #tpu.memory_space<vmem>>
          %get3A_449 = tpu.memref_squeeze %get3A_448 : memref<1x2048xf32, #tpu.memory_space<vmem>> -> memref<2048xf32, #tpu.memory_space<vmem>>
          %get3A_450 = arith.index_cast %add3A_442 : i32 to index
          %get3A_451 = tpu.vector_load %get3A_449[%get3A_450] {strides = array<i32>} : memref<2048xf32, #tpu.memory_space<vmem>>, vector<16xf32>,
          %get3A_452 = vector.shape_cast %get3A_451 : vector<16xf32> to vector<16xf32>
          %get3A_453 = arith.constant 0 : i32
          %get3A_454 = arith.constant 0 : i32
          %get3A_455 = tpu.memref_slice %arg6[%scan3A_211, %get3A_453, %get3A_454] : memref<2x8x2048xf32, #tpu.memory_space<vmem>> -> memref<1x8x2048xf32, #tpu.memory_space<vmem>>
          %get3A_456 = tpu.memref_squeeze %get3A_455 : memref<1x8x2048xf32, #tpu.memory_space<vmem>> -> memref<8x2048xf32, #tpu.memory_space<vmem>>
          %get3A_457 = arith.constant 0 : i32
          %get3A_458 = tpu.memref_slice %get3A_456[%scan3A_201, %get3A_457] : memref<8x2048xf32, #tpu.memory_space<vmem>> -> memref<1x2048xf32, #tpu.memory_space<vmem>>
          %get3A_459 = tpu.memref_squeeze %get3A_458 : memref<1x2048xf32, #tpu.memory_space<vmem>> -> memref<2048xf32, #tpu.memory_space<vmem>>
          %get3A_460 = arith.index_cast %add3A_442 : i32 to index
          %get3A_461 = tpu.vector_load %get3A_459[%get3A_460] {strides = array<i32>} : memref<2048xf32, #tpu.memory_space<vmem>>, vector<16xf32>,
          %get3A_462 = vector.shape_cast %get3A_461 : vector<16xf32> to vector<16xf32>
          %abs3A_463 = math.absf %get3A_462 : vector<16xf32>
          %gt3A_464 = arith.constant 0.000000e+00 : f32
          %gt3A_465 = vector.broadcast %gt3A_464 : f32 to vector<16xf32>
          %gt3A_466 = arith.cmpf ogt, %abs3A_463, %gt3A_465 : vector<16xf32>
          %sub3A_467 = arith.subf %get3A_452, %get3A_462 : vector<16xf32>
          %jit3A_468 = arith.constant 0.000000e+00 : f32
          %broadcast_in_dim3A_469 = vector.broadcast %jit3A_468 : f32 to vector<16xf32>
          %select_n3A_470 = arith.select %gt3A_466, %sub3A_467, %broadcast_in_dim3A_469 : vector<16xi1>, vector<16xf32>
          %mul3A_471 = arith.mulf %select_n3A_470, %select_n3A_470 : vector<16xf32>
          %add3A_472 = arith.addf %scan3A_225, %mul3A_471 : vector<16xf32>
          %mul3A_473 = arith.constant 8 : i32
          %mul3A_474 = arith.muli %scan3A_218, %mul3A_473 : i32
          %mul3A_475 = arith.constant 16 : i32
          %mul3A_476 = arith.muli %mul3A_474, %mul3A_475 : i32
          %add3A_477 = arith.constant 112 : i32
          %add3A_478 = arith.addi %mul3A_476, %add3A_477 : i32
          %get3A_479 = arith.constant 0 : i32
          %get3A_480 = arith.constant 0 : i32
          %get3A_481 = tpu.memref_slice %arg5[%scan3A_210, %get3A_479, %get3A_480] : memref<2x8x2048xf32, #tpu.memory_space<vmem>> -> memref<1x8x2048xf32, #tpu.memory_space<vmem>>
          %get3A_482 = tpu.memref_squeeze %get3A_481 : memref<1x8x2048xf32, #tpu.memory_space<vmem>> -> memref<8x2048xf32, #tpu.memory_space<vmem>>
          %get3A_483 = arith.constant 0 : i32
          %get3A_484 = tpu.memref_slice %get3A_482[%scan3A_201, %get3A_483] : memref<8x2048xf32, #tpu.memory_space<vmem>> -> memref<1x2048xf32, #tpu.memory_space<vmem>>
          %get3A_485 = tpu.memref_squeeze %get3A_484 : memref<1x2048xf32, #tpu.memory_space<vmem>> -> memref<2048xf32, #tpu.memory_space<vmem>>
          %get3A_486 = arith.index_cast %add3A_478 : i32 to index
          %get3A_487 = tpu.vector_load %get3A_485[%get3A_486] {strides = array<i32>} : memref<2048xf32, #tpu.memory_space<vmem>>, vector<16xf32>,
          %get3A_488 = vector.shape_cast %get3A_487 : vector<16xf32> to vector<16xf32>
          %get3A_489 = arith.constant 0 : i32
          %get3A_490 = arith.constant 0 : i32
          %get3A_491 = tpu.memref_slice %arg6[%scan3A_211, %get3A_489, %get3A_490] : memref<2x8x2048xf32, #tpu.memory_space<vmem>> -> memref<1x8x2048xf32, #tpu.memory_space<vmem>>
          %get3A_492 = tpu.memref_squeeze %get3A_491 : memref<1x8x2048xf32, #tpu.memory_space<vmem>> -> memref<8x2048xf32, #tpu.memory_space<vmem>>
          %get3A_493 = arith.constant 0 : i32
          %get3A_494 = tpu.memref_slice %get3A_492[%scan3A_201, %get3A_493] : memref<8x2048xf32, #tpu.memory_space<vmem>> -> memref<1x2048xf32, #tpu.memory_space<vmem>>
          %get3A_495 = tpu.memref_squeeze %get3A_494 : memref<1x2048xf32, #tpu.memory_space<vmem>> -> memref<2048xf32, #tpu.memory_space<vmem>>
          %get3A_496 = arith.index_cast %add3A_478 : i32 to index
          %get3A_497 = tpu.vector_load %get3A_495[%get3A_496] {strides = array<i32>} : memref<2048xf32, #tpu.memory_space<vmem>>, vector<16xf32>,
          %get3A_498 = vector.shape_cast %get3A_497 : vector<16xf32> to vector<16xf32>
          %abs3A_499 = math.absf %get3A_498 : vector<16xf32>
          %gt3A_500 = arith.constant 0.000000e+00 : f32
          %gt3A_501 = vector.broadcast %gt3A_500 : f32 to vector<16xf32>
          %gt3A_502 = arith.cmpf ogt, %abs3A_499, %gt3A_501 : vector<16xf32>
          %sub3A_503 = arith.subf %get3A_488, %get3A_498 : vector<16xf32>
          %jit3A_504 = arith.constant 0.000000e+00 : f32
          %broadcast_in_dim3A_505 = vector.broadcast %jit3A_504 : f32 to vector<16xf32>
          %select_n3A_506 = arith.select %gt3A_502, %sub3A_503, %broadcast_in_dim3A_505 : vector<16xi1>, vector<16xf32>
          %mul3A_507 = arith.mulf %select_n3A_506, %select_n3A_506 : vector<16xf32>
          %add3A_508 = arith.addf %scan3A_226, %mul3A_507 : vector<16xf32>
          scf.yield %add3A_256, %add3A_292, %add3A_328, %add3A_364, %add3A_400, %add3A_436, %add3A_472, %add3A_508 : vector<16xf32>, vector<16xf32>, vector<16xf32>, vector<16xf32>, vector<16xf32>, vector<16xf32>, vector<16xf32>, vector<16xf32>
        }
        %scan3A_217 = arith.constant 16 : i32
        scf.yield %scan3A_216#0, %scan3A_216#1, %scan3A_216#2, %scan3A_216#3, %scan3A_216#4, %scan3A_216#5, %scan3A_216#6, %scan3A_216#7 : vector<16xf32>, vector<16xf32>, vector<16xf32>, vector<16xf32>, vector<16xf32>, vector<16xf32>, vector<16xf32>, vector<16xf32>
      }
      %scan3A_147 = arith.constant 8 : i32
      %lt3A = arith.constant 18 : i32
      %lt3A_148 = arith.cmpi slt, %add3A_106, %lt3A : i32
      %convert_element_type3A = arith.extui %lt3A_148 : i1 to i32
      %cond3A = arith.constant 0 : i32
      %cond3A_149 = arith.cmpi ne, %convert_element_type3A, %cond3A : i32
      scf.if %cond3A_149 {
        %add3A_201 = arith.constant 2 : i32
        %add3A_202 = arith.addi %add3A_106, %add3A_201 : i32
        %add3A_203 = arith.addi %mul3A_2, %add3A_202 : i32
        %dma_start3A_204 = arith.constant 0 : i32
        %dma_start3A_205 = arith.constant 0 : i32
        %dma_start3A_206 = arith.constant 0 : i32
        %dma_start3A_207 = tpu.memref_slice %arg5[%dma_start3A_204, %dma_start3A_205, %dma_start3A_206] : memref<2x8x2048xf32, #tpu.memory_space<vmem>> -> memref<1x8x2048xf32, #tpu.memory_space<vmem>>
        %dma_start3A_208 = tpu.memref_squeeze %dma_start3A_207 : memref<1x8x2048xf32, #tpu.memory_space<vmem>> -> memref<8x2048xf32, #tpu.memory_space<vmem>>
        %dma_start3A_209 = arith.constant 0 : i32
        %dma_start3A_210 = arith.constant 0 : i32
        %dma_start3A_211 = tpu.memref_slice %arg2[%add3A_203, %dma_start3A_209, %dma_start3A_210] : memref<2048x8x2048xf32, #tpu.memory_space<hbm>> -> memref<1x8x2048xf32, #tpu.memory_space<hbm>>
        %dma_start3A_212 = tpu.memref_squeeze %dma_start3A_211 : memref<1x8x2048xf32, #tpu.memory_space<hbm>> -> memref<8x2048xf32, #tpu.memory_space<hbm>>
        %dma_start3A_213 = arith.constant 0 : i32
        %dma_start3A_214 = arith.constant 0 : i32
        %dma_start3A_215 = tpu.memref_slice %arg5[%dma_start3A_204, %dma_start3A_213, %dma_start3A_214] : memref<2x8x2048xf32, #tpu.memory_space<vmem>> -> memref<1x8x2048xf32, #tpu.memory_space<vmem>>
        %dma_start3A_216 = tpu.memref_squeeze %dma_start3A_215 : memref<1x8x2048xf32, #tpu.memory_space<vmem>> -> memref<8x2048xf32, #tpu.memory_space<vmem>>
        %dma_start3A_217 = arith.constant 0 : i32
        %dma_start3A_218 = arith.constant 0 : i32
        %dma_start3A_219 = tpu.memref_slice %arg2[%add3A_203, %dma_start3A_217, %dma_start3A_218] : memref<2048x8x2048xf32, #tpu.memory_space<hbm>> -> memref<1x8x2048xf32, #tpu.memory_space<hbm>>
        %dma_start3A_220 = tpu.memref_squeeze %dma_start3A_219 : memref<1x8x2048xf32, #tpu.memory_space<hbm>> -> memref<8x2048xf32, #tpu.memory_space<hbm>>
        tpu.enqueue_dma source(%dma_start3A_220 : memref<8x2048xf32, #tpu.memory_space<hbm>>) target(%dma_start3A_216 : memref<8x2048xf32, #tpu.memory_space<vmem>>) target_semaphore(%arg8 : memref<!tpu.dma_semaphore, #tpu.memory_space<semaphore_mem>>)
        %add3A_221 = arith.addi %mul3A_2, %add3A_202 : i32
        %dma_start3A_222 = arith.constant 0 : i32
        %dma_start3A_223 = arith.constant 0 : i32
        %dma_start3A_224 = arith.constant 0 : i32
        %dma_start3A_225 = tpu.memref_slice %arg6[%dma_start3A_222, %dma_start3A_223, %dma_start3A_224] : memref<2x8x2048xf32, #tpu.memory_space<vmem>> -> memref<1x8x2048xf32, #tpu.memory_space<vmem>>
        %dma_start3A_226 = tpu.memref_squeeze %dma_start3A_225 : memref<1x8x2048xf32, #tpu.memory_space<vmem>> -> memref<8x2048xf32, #tpu.memory_space<vmem>>
        %dma_start3A_227 = arith.constant 0 : i32
        %dma_start3A_228 = arith.constant 0 : i32
        %dma_start3A_229 = tpu.memref_slice %arg3[%add3A_221, %dma_start3A_227, %dma_start3A_228] : memref<2048x8x2048xf32, #tpu.memory_space<hbm>> -> memref<1x8x2048xf32, #tpu.memory_space<hbm>>
        %dma_start3A_230 = tpu.memref_squeeze %dma_start3A_229 : memref<1x8x2048xf32, #tpu.memory_space<hbm>> -> memref<8x2048xf32, #tpu.memory_space<hbm>>
        %dma_start3A_231 = arith.constant 0 : i32
        %dma_start3A_232 = arith.constant 0 : i32
        %dma_start3A_233 = tpu.memref_slice %arg6[%dma_start3A_222, %dma_start3A_231, %dma_start3A_232] : memref<2x8x2048xf32, #tpu.memory_space<vmem>> -> memref<1x8x2048xf32, #tpu.memory_space<vmem>>
        %dma_start3A_234 = tpu.memref_squeeze %dma_start3A_233 : memref<1x8x2048xf32, #tpu.memory_space<vmem>> -> memref<8x2048xf32, #tpu.memory_space<vmem>>
        %dma_start3A_235 = arith.constant 0 : i32
        %dma_start3A_236 = arith.constant 0 : i32
        %dma_start3A_237 = tpu.memref_slice %arg3[%add3A_221, %dma_start3A_235, %dma_start3A_236] : memref<2048x8x2048xf32, #tpu.memory_space<hbm>> -> memref<1x8x2048xf32, #tpu.memory_space<hbm>>
        %dma_start3A_238 = tpu.memref_squeeze %dma_start3A_237 : memref<1x8x2048xf32, #tpu.memory_space<hbm>> -> memref<8x2048xf32, #tpu.memory_space<hbm>>
        tpu.enqueue_dma source(%dma_start3A_238 : memref<8x2048xf32, #tpu.memory_space<hbm>>) target(%dma_start3A_234 : memref<8x2048xf32, #tpu.memory_space<vmem>>) target_semaphore(%arg10 : memref<!tpu.dma_semaphore, #tpu.memory_space<semaphore_mem>>)
      } else {
      }
      %mul3A_150 = arith.constant 2 : i32
      %mul3A_151 = arith.muli %mul3A_150, %scan3A_94 : i32
      %add3A_152 = arith.constant 1 : i32
      %add3A_153 = arith.addi %mul3A_151, %add3A_152 : i32
      %add3A_154 = arith.addi %mul3A_2, %add3A_153 : i32
      %dma_wait3A_155 = arith.constant 1 : i32
      %dma_wait3A_156 = arith.constant 0 : i32
      %dma_wait3A_157 = arith.constant 0 : i32
      %dma_wait3A_158 = tpu.memref_slice %arg5[%dma_wait3A_155, %dma_wait3A_156, %dma_wait3A_157] : memref<2x8x2048xf32, #tpu.memory_space<vmem>> -> memref<1x8x2048xf32, #tpu.memory_space<vmem>>
      %dma_wait3A_159 = tpu.memref_squeeze %dma_wait3A_158 : memref<1x8x2048xf32, #tpu.memory_space<vmem>> -> memref<8x2048xf32, #tpu.memory_space<vmem>>
      %dma_wait3A_160 = arith.constant 0 : i32
      %dma_wait3A_161 = arith.constant 0 : i32
      %dma_wait3A_162 = tpu.memref_slice %arg2[%add3A_154, %dma_wait3A_160, %dma_wait3A_161] : memref<2048x8x2048xf32, #tpu.memory_space<hbm>> -> memref<1x8x2048xf32, #tpu.memory_space<hbm>>
      %dma_wait3A_163 = tpu.memref_squeeze %dma_wait3A_162 : memref<1x8x2048xf32, #tpu.memory_space<hbm>> -> memref<8x2048xf32, #tpu.memory_space<hbm>>
      %dma_wait3A_164 = arith.constant 0 : i32
      %dma_wait3A_165 = arith.constant 0 : i32
      %dma_wait3A_166 = tpu.memref_slice %arg5[%dma_wait3A_155, %dma_wait3A_164, %dma_wait3A_165] : memref<2x8x2048xf32, #tpu.memory_space<vmem>> -> memref<1x8x2048xf32, #tpu.memory_space<vmem>>
      %dma_wait3A_167 = tpu.memref_squeeze %dma_wait3A_166 : memref<1x8x2048xf32, #tpu.memory_space<vmem>> -> memref<8x2048xf32, #tpu.memory_space<vmem>>
      %dma_wait3A_168 = arith.constant 0 : i32
      %dma_wait3A_169 = arith.constant 0 : i32
      %dma_wait3A_170 = tpu.memref_slice %arg2[%add3A_154, %dma_wait3A_168, %dma_wait3A_169] : memref<2048x8x2048xf32, #tpu.memory_space<hbm>> -> memref<1x8x2048xf32, #tpu.memory_space<hbm>>
      %dma_wait3A_171 = tpu.memref_squeeze %dma_wait3A_170 : memref<1x8x2048xf32, #tpu.memory_space<hbm>> -> memref<8x2048xf32, #tpu.memory_space<hbm>>
      tpu.wait_dma2 semaphore(%arg9 : memref<!tpu.dma_semaphore, #tpu.memory_space<semaphore_mem>>) src(%dma_wait3A_171 : memref<8x2048xf32, #tpu.memory_space<hbm>>) dst(%dma_wait3A_167 : memref<8x2048xf32, #tpu.memory_space<vmem>>)
      %add3A_172 = arith.addi %mul3A_2, %add3A_153 : i32
      %dma_wait3A_173 = arith.constant 1 : i32
      %dma_wait3A_174 = arith.constant 0 : i32
      %dma_wait3A_175 = arith.constant 0 : i32
      %dma_wait3A_176 = tpu.memref_slice %arg6[%dma_wait3A_173, %dma_wait3A_174, %dma_wait3A_175] : memref<2x8x2048xf32, #tpu.memory_space<vmem>> -> memref<1x8x2048xf32, #tpu.memory_space<vmem>>
      %dma_wait3A_177 = tpu.memref_squeeze %dma_wait3A_176 : memref<1x8x2048xf32, #tpu.memory_space<vmem>> -> memref<8x2048xf32, #tpu.memory_space<vmem>>
      %dma_wait3A_178 = arith.constant 0 : i32
      %dma_wait3A_179 = arith.constant 0 : i32
      %dma_wait3A_180 = tpu.memref_slice %arg3[%add3A_172, %dma_wait3A_178, %dma_wait3A_179] : memref<2048x8x2048xf32, #tpu.memory_space<hbm>> -> memref<1x8x2048xf32, #tpu.memory_space<hbm>>
      %dma_wait3A_181 = tpu.memref_squeeze %dma_wait3A_180 : memref<1x8x2048xf32, #tpu.memory_space<hbm>> -> memref<8x2048xf32, #tpu.memory_space<hbm>>
      %dma_wait3A_182 = arith.constant 0 : i32
      %dma_wait3A_183 = arith.constant 0 : i32
      %dma_wait3A_184 = tpu.memref_slice %arg6[%dma_wait3A_173, %dma_wait3A_182, %dma_wait3A_183] : memref<2x8x2048xf32, #tpu.memory_space<vmem>> -> memref<1x8x2048xf32, #tpu.memory_space<vmem>>
      %dma_wait3A_185 = tpu.memref_squeeze %dma_wait3A_184 : memref<1x8x2048xf32, #tpu.memory_space<vmem>> -> memref<8x2048xf32, #tpu.memory_space<vmem>>
      %dma_wait3A_186 = arith.constant 0 : i32
      %dma_wait3A_187 = arith.constant 0 : i32
      %dma_wait3A_188 = tpu.memref_slice %arg3[%add3A_172, %dma_wait3A_186, %dma_wait3A_187] : memref<2048x8x2048xf32, #tpu.memory_space<hbm>> -> memref<1x8x2048xf32, #tpu.memory_space<hbm>>
      %dma_wait3A_189 = tpu.memref_squeeze %dma_wait3A_188 : memref<1x8x2048xf32, #tpu.memory_space<hbm>> -> memref<8x2048xf32, #tpu.memory_space<hbm>>
      tpu.wait_dma2 semaphore(%arg11 : memref<!tpu.dma_semaphore, #tpu.memory_space<semaphore_mem>>) src(%dma_wait3A_189 : memref<8x2048xf32, #tpu.memory_space<hbm>>) dst(%dma_wait3A_185 : memref<8x2048xf32, #tpu.memory_space<vmem>>)
      %scan3A_190 = arith.constant 0 : i32
      %scan3A_191 = arith.constant 8 : i32
      %scan3A_192 = arith.addi %scan3A_190, %scan3A_191 : i32
      %scan3A_193 = arith.constant 1 : i32
      %scan3A_194:8 = scf.for %scan3A_201 = %scan3A_190 to %scan3A_192 step %scan3A_193 iter_args(%scan3A_202 = %scan3A_146#0, %scan3A_203 = %scan3A_146#1, %scan3A_204 = %scan3A_146#2, %scan3A_205 = %scan3A_146#3, %scan3A_206 = %scan3A_146#4, %scan3A_207 = %scan3A_146#5, %scan3A_208 = %scan3A_146#6, %scan3A_209 = %scan3A_146#7) -> (vector<16xf32>, vector<16xf32>, vector<16xf32>, vector<16xf32>, vector<16xf32>, vector<16xf32>, vector<16xf32>, vector<16xf32>)  : i32 {
        %scan3A_210 = arith.constant 1 : i32
        %scan3A_211 = arith.constant 1 : i32
        %scan3A_212 = arith.constant 0 : i32
        %scan3A_213 = arith.constant 16 : i32
        %scan3A_214 = arith.addi %scan3A_212, %scan3A_213 : i32
        %scan3A_215 = arith.constant 1 : i32
        %scan3A_216:8 = scf.for %scan3A_218 = %scan3A_212 to %scan3A_214 step %scan3A_215 iter_args(%scan3A_219 = %scan3A_202, %scan3A_220 = %scan3A_203, %scan3A_221 = %scan3A_204, %scan3A_222 = %scan3A_205, %scan3A_223 = %scan3A_206, %scan3A_224 = %scan3A_207, %scan3A_225 = %scan3A_208, %scan3A_226 = %scan3A_209) -> (vector<16xf32>, vector<16xf32>, vector<16xf32>, vector<16xf32>, vector<16xf32>, vector<16xf32>, vector<16xf32>, vector<16xf32>)  : i32 {
          %mul3A_227 = arith.constant 8 : i32
          %mul3A_228 = arith.muli %scan3A_218, %mul3A_227 : i32
          %mul3A_229 = arith.constant 16 : i32
          %mul3A_230 = arith.muli %mul3A_228, %mul3A_229 : i32
          %add3A_231 = arith.constant 0 : i32
          %add3A_232 = arith.addi %mul3A_230, %add3A_231 : i32
          %get3A = arith.constant 0 : i32
          %get3A_233 = arith.constant 0 : i32
          %get3A_234 = tpu.memref_slice %arg5[%scan3A_210, %get3A, %get3A_233] : memref<2x8x2048xf32, #tpu.memory_space<vmem>> -> memref<1x8x2048xf32, #tpu.memory_space<vmem>>
          %get3A_235 = tpu.memref_squeeze %get3A_234 : memref<1x8x2048xf32, #tpu.memory_space<vmem>> -> memref<8x2048xf32, #tpu.memory_space<vmem>>
          %get3A_236 = arith.constant 0 : i32
          %get3A_237 = tpu.memref_slice %get3A_235[%scan3A_201, %get3A_236] : memref<8x2048xf32, #tpu.memory_space<vmem>> -> memref<1x2048xf32, #tpu.memory_space<vmem>>
          %get3A_238 = tpu.memref_squeeze %get3A_237 : memref<1x2048xf32, #tpu.memory_space<vmem>> -> memref<2048xf32, #tpu.memory_space<vmem>>
          %get3A_239 = arith.index_cast %add3A_232 : i32 to index
          %get3A_240 = tpu.vector_load %get3A_238[%get3A_239] {strides = array<i32>} : memref<2048xf32, #tpu.memory_space<vmem>>, vector<16xf32>,
          %get3A_241 = vector.shape_cast %get3A_240 : vector<16xf32> to vector<16xf32>
          %get3A_242 = arith.constant 0 : i32
          %get3A_243 = arith.constant 0 : i32
          %get3A_244 = tpu.memref_slice %arg6[%scan3A_211, %get3A_242, %get3A_243] : memref<2x8x2048xf32, #tpu.memory_space<vmem>> -> memref<1x8x2048xf32, #tpu.memory_space<vmem>>
          %get3A_245 = tpu.memref_squeeze %get3A_244 : memref<1x8x2048xf32, #tpu.memory_space<vmem>> -> memref<8x2048xf32, #tpu.memory_space<vmem>>
          %get3A_246 = arith.constant 0 : i32
          %get3A_247 = tpu.memref_slice %get3A_245[%scan3A_201, %get3A_246] : memref<8x2048xf32, #tpu.memory_space<vmem>> -> memref<1x2048xf32, #tpu.memory_space<vmem>>
          %get3A_248 = tpu.memref_squeeze %get3A_247 : memref<1x2048xf32, #tpu.memory_space<vmem>> -> memref<2048xf32, #tpu.memory_space<vmem>>
          %get3A_249 = arith.index_cast %add3A_232 : i32 to index
          %get3A_250 = tpu.vector_load %get3A_248[%get3A_249] {strides = array<i32>} : memref<2048xf32, #tpu.memory_space<vmem>>, vector<16xf32>,
          %get3A_251 = vector.shape_cast %get3A_250 : vector<16xf32> to vector<16xf32>
          %abs3A = math.absf %get3A_251 : vector<16xf32>
          %gt3A = arith.constant 0.000000e+00 : f32
          %gt3A_252 = vector.broadcast %gt3A : f32 to vector<16xf32>
          %gt3A_253 = arith.cmpf ogt, %abs3A, %gt3A_252 : vector<16xf32>
          %sub3A = arith.subf %get3A_241, %get3A_251 : vector<16xf32>
          %jit3A = arith.constant 0.000000e+00 : f32
          %broadcast_in_dim3A_254 = vector.broadcast %jit3A : f32 to vector<16xf32>
          %select_n3A = arith.select %gt3A_253, %sub3A, %broadcast_in_dim3A_254 : vector<16xi1>, vector<16xf32>
          %mul3A_255 = arith.mulf %select_n3A, %select_n3A : vector<16xf32>
          %add3A_256 = arith.addf %scan3A_219, %mul3A_255 : vector<16xf32>
          %mul3A_257 = arith.constant 8 : i32
          %mul3A_258 = arith.muli %scan3A_218, %mul3A_257 : i32
          %mul3A_259 = arith.constant 16 : i32
          %mul3A_260 = arith.muli %mul3A_258, %mul3A_259 : i32
          %add3A_261 = arith.constant 16 : i32
          %add3A_262 = arith.addi %mul3A_260, %add3A_261 : i32
          %get3A_263 = arith.constant 0 : i32
          %get3A_264 = arith.constant 0 : i32
          %get3A_265 = tpu.memref_slice %arg5[%scan3A_210, %get3A_263, %get3A_264] : memref<2x8x2048xf32, #tpu.memory_space<vmem>> -> memref<1x8x2048xf32, #tpu.memory_space<vmem>>
          %get3A_266 = tpu.memref_squeeze %get3A_265 : memref<1x8x2048xf32, #tpu.memory_space<vmem>> -> memref<8x2048xf32, #tpu.memory_space<vmem>>
          %get3A_267 = arith.constant 0 : i32
          %get3A_268 = tpu.memref_slice %get3A_266[%scan3A_201, %get3A_267] : memref<8x2048xf32, #tpu.memory_space<vmem>> -> memref<1x2048xf32, #tpu.memory_space<vmem>>
          %get3A_269 = tpu.memref_squeeze %get3A_268 : memref<1x2048xf32, #tpu.memory_space<vmem>> -> memref<2048xf32, #tpu.memory_space<vmem>>
          %get3A_270 = arith.index_cast %add3A_262 : i32 to index
          %get3A_271 = tpu.vector_load %get3A_269[%get3A_270] {strides = array<i32>} : memref<2048xf32, #tpu.memory_space<vmem>>, vector<16xf32>,
          %get3A_272 = vector.shape_cast %get3A_271 : vector<16xf32> to vector<16xf32>
          %get3A_273 = arith.constant 0 : i32
          %get3A_274 = arith.constant 0 : i32
          %get3A_275 = tpu.memref_slice %arg6[%scan3A_211, %get3A_273, %get3A_274] : memref<2x8x2048xf32, #tpu.memory_space<vmem>> -> memref<1x8x2048xf32, #tpu.memory_space<vmem>>
          %get3A_276 = tpu.memref_squeeze %get3A_275 : memref<1x8x2048xf32, #tpu.memory_space<vmem>> -> memref<8x2048xf32, #tpu.memory_space<vmem>>
          %get3A_277 = arith.constant 0 : i32
          %get3A_278 = tpu.memref_slice %get3A_276[%scan3A_201, %get3A_277] : memref<8x2048xf32, #tpu.memory_space<vmem>> -> memref<1x2048xf32, #tpu.memory_space<vmem>>
          %get3A_279 = tpu.memref_squeeze %get3A_278 : memref<1x2048xf32, #tpu.memory_space<vmem>> -> memref<2048xf32, #tpu.memory_space<vmem>>
          %get3A_280 = arith.index_cast %add3A_262 : i32 to index
          %get3A_281 = tpu.vector_load %get3A_279[%get3A_280] {strides = array<i32>} : memref<2048xf32, #tpu.memory_space<vmem>>, vector<16xf32>,
          %get3A_282 = vector.shape_cast %get3A_281 : vector<16xf32> to vector<16xf32>
          %abs3A_283 = math.absf %get3A_282 : vector<16xf32>
          %gt3A_284 = arith.constant 0.000000e+00 : f32
          %gt3A_285 = vector.broadcast %gt3A_284 : f32 to vector<16xf32>
          %gt3A_286 = arith.cmpf ogt, %abs3A_283, %gt3A_285 : vector<16xf32>
          %sub3A_287 = arith.subf %get3A_272, %get3A_282 : vector<16xf32>
          %jit3A_288 = arith.constant 0.000000e+00 : f32
          %broadcast_in_dim3A_289 = vector.broadcast %jit3A_288 : f32 to vector<16xf32>
          %select_n3A_290 = arith.select %gt3A_286, %sub3A_287, %broadcast_in_dim3A_289 : vector<16xi1>, vector<16xf32>
          %mul3A_291 = arith.mulf %select_n3A_290, %select_n3A_290 : vector<16xf32>
          %add3A_292 = arith.addf %scan3A_220, %mul3A_291 : vector<16xf32>
          %mul3A_293 = arith.constant 8 : i32
          %mul3A_294 = arith.muli %scan3A_218, %mul3A_293 : i32
          %mul3A_295 = arith.constant 16 : i32
          %mul3A_296 = arith.muli %mul3A_294, %mul3A_295 : i32
          %add3A_297 = arith.constant 32 : i32
          %add3A_298 = arith.addi %mul3A_296, %add3A_297 : i32
          %get3A_299 = arith.constant 0 : i32
          %get3A_300 = arith.constant 0 : i32
          %get3A_301 = tpu.memref_slice %arg5[%scan3A_210, %get3A_299, %get3A_300] : memref<2x8x2048xf32, #tpu.memory_space<vmem>> -> memref<1x8x2048xf32, #tpu.memory_space<vmem>>
          %get3A_302 = tpu.memref_squeeze %get3A_301 : memref<1x8x2048xf32, #tpu.memory_space<vmem>> -> memref<8x2048xf32, #tpu.memory_space<vmem>>
          %get3A_303 = arith.constant 0 : i32
          %get3A_304 = tpu.memref_slice %get3A_302[%scan3A_201, %get3A_303] : memref<8x2048xf32, #tpu.memory_space<vmem>> -> memref<1x2048xf32, #tpu.memory_space<vmem>>
          %get3A_305 = tpu.memref_squeeze %get3A_304 : memref<1x2048xf32, #tpu.memory_space<vmem>> -> memref<2048xf32, #tpu.memory_space<vmem>>
          %get3A_306 = arith.index_cast %add3A_298 : i32 to index
          %get3A_307 = tpu.vector_load %get3A_305[%get3A_306] {strides = array<i32>} : memref<2048xf32, #tpu.memory_space<vmem>>, vector<16xf32>,
          %get3A_308 = vector.shape_cast %get3A_307 : vector<16xf32> to vector<16xf32>
          %get3A_309 = arith.constant 0 : i32
          %get3A_310 = arith.constant 0 : i32
          %get3A_311 = tpu.memref_slice %arg6[%scan3A_211, %get3A_309, %get3A_310] : memref<2x8x2048xf32, #tpu.memory_space<vmem>> -> memref<1x8x2048xf32, #tpu.memory_space<vmem>>
          %get3A_312 = tpu.memref_squeeze %get3A_311 : memref<1x8x2048xf32, #tpu.memory_space<vmem>> -> memref<8x2048xf32, #tpu.memory_space<vmem>>
          %get3A_313 = arith.constant 0 : i32
          %get3A_314 = tpu.memref_slice %get3A_312[%scan3A_201, %get3A_313] : memref<8x2048xf32, #tpu.memory_space<vmem>> -> memref<1x2048xf32, #tpu.memory_space<vmem>>
          %get3A_315 = tpu.memref_squeeze %get3A_314 : memref<1x2048xf32, #tpu.memory_space<vmem>> -> memref<2048xf32, #tpu.memory_space<vmem>>
          %get3A_316 = arith.index_cast %add3A_298 : i32 to index
          %get3A_317 = tpu.vector_load %get3A_315[%get3A_316] {strides = array<i32>} : memref<2048xf32, #tpu.memory_space<vmem>>, vector<16xf32>,
          %get3A_318 = vector.shape_cast %get3A_317 : vector<16xf32> to vector<16xf32>
          %abs3A_319 = math.absf %get3A_318 : vector<16xf32>
          %gt3A_320 = arith.constant 0.000000e+00 : f32
          %gt3A_321 = vector.broadcast %gt3A_320 : f32 to vector<16xf32>
          %gt3A_322 = arith.cmpf ogt, %abs3A_319, %gt3A_321 : vector<16xf32>
          %sub3A_323 = arith.subf %get3A_308, %get3A_318 : vector<16xf32>
          %jit3A_324 = arith.constant 0.000000e+00 : f32
          %broadcast_in_dim3A_325 = vector.broadcast %jit3A_324 : f32 to vector<16xf32>
          %select_n3A_326 = arith.select %gt3A_322, %sub3A_323, %broadcast_in_dim3A_325 : vector<16xi1>, vector<16xf32>
          %mul3A_327 = arith.mulf %select_n3A_326, %select_n3A_326 : vector<16xf32>
          %add3A_328 = arith.addf %scan3A_221, %mul3A_327 : vector<16xf32>
          %mul3A_329 = arith.constant 8 : i32
          %mul3A_330 = arith.muli %scan3A_218, %mul3A_329 : i32
          %mul3A_331 = arith.constant 16 : i32
          %mul3A_332 = arith.muli %mul3A_330, %mul3A_331 : i32
          %add3A_333 = arith.constant 48 : i32
          %add3A_334 = arith.addi %mul3A_332, %add3A_333 : i32
          %get3A_335 = arith.constant 0 : i32
          %get3A_336 = arith.constant 0 : i32
          %get3A_337 = tpu.memref_slice %arg5[%scan3A_210, %get3A_335, %get3A_336] : memref<2x8x2048xf32, #tpu.memory_space<vmem>> -> memref<1x8x2048xf32, #tpu.memory_space<vmem>>
          %get3A_338 = tpu.memref_squeeze %get3A_337 : memref<1x8x2048xf32, #tpu.memory_space<vmem>> -> memref<8x2048xf32, #tpu.memory_space<vmem>>
          %get3A_339 = arith.constant 0 : i32
          %get3A_340 = tpu.memref_slice %get3A_338[%scan3A_201, %get3A_339] : memref<8x2048xf32, #tpu.memory_space<vmem>> -> memref<1x2048xf32, #tpu.memory_space<vmem>>
          %get3A_341 = tpu.memref_squeeze %get3A_340 : memref<1x2048xf32, #tpu.memory_space<vmem>> -> memref<2048xf32, #tpu.memory_space<vmem>>
          %get3A_342 = arith.index_cast %add3A_334 : i32 to index
          %get3A_343 = tpu.vector_load %get3A_341[%get3A_342] {strides = array<i32>} : memref<2048xf32, #tpu.memory_space<vmem>>, vector<16xf32>,
          %get3A_344 = vector.shape_cast %get3A_343 : vector<16xf32> to vector<16xf32>
          %get3A_345 = arith.constant 0 : i32
          %get3A_346 = arith.constant 0 : i32
          %get3A_347 = tpu.memref_slice %arg6[%scan3A_211, %get3A_345, %get3A_346] : memref<2x8x2048xf32, #tpu.memory_space<vmem>> -> memref<1x8x2048xf32, #tpu.memory_space<vmem>>
          %get3A_348 = tpu.memref_squeeze %get3A_347 : memref<1x8x2048xf32, #tpu.memory_space<vmem>> -> memref<8x2048xf32, #tpu.memory_space<vmem>>
          %get3A_349 = arith.constant 0 : i32
          %get3A_350 = tpu.memref_slice %get3A_348[%scan3A_201, %get3A_349] : memref<8x2048xf32, #tpu.memory_space<vmem>> -> memref<1x2048xf32, #tpu.memory_space<vmem>>
          %get3A_351 = tpu.memref_squeeze %get3A_350 : memref<1x2048xf32, #tpu.memory_space<vmem>> -> memref<2048xf32, #tpu.memory_space<vmem>>
          %get3A_352 = arith.index_cast %add3A_334 : i32 to index
          %get3A_353 = tpu.vector_load %get3A_351[%get3A_352] {strides = array<i32>} : memref<2048xf32, #tpu.memory_space<vmem>>, vector<16xf32>,
          %get3A_354 = vector.shape_cast %get3A_353 : vector<16xf32> to vector<16xf32>
          %abs3A_355 = math.absf %get3A_354 : vector<16xf32>
          %gt3A_356 = arith.constant 0.000000e+00 : f32
          %gt3A_357 = vector.broadcast %gt3A_356 : f32 to vector<16xf32>
          %gt3A_358 = arith.cmpf ogt, %abs3A_355, %gt3A_357 : vector<16xf32>
          %sub3A_359 = arith.subf %get3A_344, %get3A_354 : vector<16xf32>
          %jit3A_360 = arith.constant 0.000000e+00 : f32
          %broadcast_in_dim3A_361 = vector.broadcast %jit3A_360 : f32 to vector<16xf32>
          %select_n3A_362 = arith.select %gt3A_358, %sub3A_359, %broadcast_in_dim3A_361 : vector<16xi1>, vector<16xf32>
          %mul3A_363 = arith.mulf %select_n3A_362, %select_n3A_362 : vector<16xf32>
          %add3A_364 = arith.addf %scan3A_222, %mul3A_363 : vector<16xf32>
          %mul3A_365 = arith.constant 8 : i32
          %mul3A_366 = arith.muli %scan3A_218, %mul3A_365 : i32
          %mul3A_367 = arith.constant 16 : i32
          %mul3A_368 = arith.muli %mul3A_366, %mul3A_367 : i32
          %add3A_369 = arith.constant 64 : i32
          %add3A_370 = arith.addi %mul3A_368, %add3A_369 : i32
          %get3A_371 = arith.constant 0 : i32
          %get3A_372 = arith.constant 0 : i32
          %get3A_373 = tpu.memref_slice %arg5[%scan3A_210, %get3A_371, %get3A_372] : memref<2x8x2048xf32, #tpu.memory_space<vmem>> -> memref<1x8x2048xf32, #tpu.memory_space<vmem>>
          %get3A_374 = tpu.memref_squeeze %get3A_373 : memref<1x8x2048xf32, #tpu.memory_space<vmem>> -> memref<8x2048xf32, #tpu.memory_space<vmem>>
          %get3A_375 = arith.constant 0 : i32
          %get3A_376 = tpu.memref_slice %get3A_374[%scan3A_201, %get3A_375] : memref<8x2048xf32, #tpu.memory_space<vmem>> -> memref<1x2048xf32, #tpu.memory_space<vmem>>
          %get3A_377 = tpu.memref_squeeze %get3A_376 : memref<1x2048xf32, #tpu.memory_space<vmem>> -> memref<2048xf32, #tpu.memory_space<vmem>>
          %get3A_378 = arith.index_cast %add3A_370 : i32 to index
          %get3A_379 = tpu.vector_load %get3A_377[%get3A_378] {strides = array<i32>} : memref<2048xf32, #tpu.memory_space<vmem>>, vector<16xf32>,
          %get3A_380 = vector.shape_cast %get3A_379 : vector<16xf32> to vector<16xf32>
          %get3A_381 = arith.constant 0 : i32
          %get3A_382 = arith.constant 0 : i32
          %get3A_383 = tpu.memref_slice %arg6[%scan3A_211, %get3A_381, %get3A_382] : memref<2x8x2048xf32, #tpu.memory_space<vmem>> -> memref<1x8x2048xf32, #tpu.memory_space<vmem>>
          %get3A_384 = tpu.memref_squeeze %get3A_383 : memref<1x8x2048xf32, #tpu.memory_space<vmem>> -> memref<8x2048xf32, #tpu.memory_space<vmem>>
          %get3A_385 = arith.constant 0 : i32
          %get3A_386 = tpu.memref_slice %get3A_384[%scan3A_201, %get3A_385] : memref<8x2048xf32, #tpu.memory_space<vmem>> -> memref<1x2048xf32, #tpu.memory_space<vmem>>
          %get3A_387 = tpu.memref_squeeze %get3A_386 : memref<1x2048xf32, #tpu.memory_space<vmem>> -> memref<2048xf32, #tpu.memory_space<vmem>>
          %get3A_388 = arith.index_cast %add3A_370 : i32 to index
          %get3A_389 = tpu.vector_load %get3A_387[%get3A_388] {strides = array<i32>} : memref<2048xf32, #tpu.memory_space<vmem>>, vector<16xf32>,
          %get3A_390 = vector.shape_cast %get3A_389 : vector<16xf32> to vector<16xf32>
          %abs3A_391 = math.absf %get3A_390 : vector<16xf32>
          %gt3A_392 = arith.constant 0.000000e+00 : f32
          %gt3A_393 = vector.broadcast %gt3A_392 : f32 to vector<16xf32>
          %gt3A_394 = arith.cmpf ogt, %abs3A_391, %gt3A_393 : vector<16xf32>
          %sub3A_395 = arith.subf %get3A_380, %get3A_390 : vector<16xf32>
          %jit3A_396 = arith.constant 0.000000e+00 : f32
          %broadcast_in_dim3A_397 = vector.broadcast %jit3A_396 : f32 to vector<16xf32>
          %select_n3A_398 = arith.select %gt3A_394, %sub3A_395, %broadcast_in_dim3A_397 : vector<16xi1>, vector<16xf32>
          %mul3A_399 = arith.mulf %select_n3A_398, %select_n3A_398 : vector<16xf32>
          %add3A_400 = arith.addf %scan3A_223, %mul3A_399 : vector<16xf32>
          %mul3A_401 = arith.constant 8 : i32
          %mul3A_402 = arith.muli %scan3A_218, %mul3A_401 : i32
          %mul3A_403 = arith.constant 16 : i32
          %mul3A_404 = arith.muli %mul3A_402, %mul3A_403 : i32
          %add3A_405 = arith.constant 80 : i32
          %add3A_406 = arith.addi %mul3A_404, %add3A_405 : i32
          %get3A_407 = arith.constant 0 : i32
          %get3A_408 = arith.constant 0 : i32
          %get3A_409 = tpu.memref_slice %arg5[%scan3A_210, %get3A_407, %get3A_408] : memref<2x8x2048xf32, #tpu.memory_space<vmem>> -> memref<1x8x2048xf32, #tpu.memory_space<vmem>>
          %get3A_410 = tpu.memref_squeeze %get3A_409 : memref<1x8x2048xf32, #tpu.memory_space<vmem>> -> memref<8x2048xf32, #tpu.memory_space<vmem>>
          %get3A_411 = arith.constant 0 : i32
          %get3A_412 = tpu.memref_slice %get3A_410[%scan3A_201, %get3A_411] : memref<8x2048xf32, #tpu.memory_space<vmem>> -> memref<1x2048xf32, #tpu.memory_space<vmem>>
          %get3A_413 = tpu.memref_squeeze %get3A_412 : memref<1x2048xf32, #tpu.memory_space<vmem>> -> memref<2048xf32, #tpu.memory_space<vmem>>
          %get3A_414 = arith.index_cast %add3A_406 : i32 to index
          %get3A_415 = tpu.vector_load %get3A_413[%get3A_414] {strides = array<i32>} : memref<2048xf32, #tpu.memory_space<vmem>>, vector<16xf32>,
          %get3A_416 = vector.shape_cast %get3A_415 : vector<16xf32> to vector<16xf32>
          %get3A_417 = arith.constant 0 : i32
          %get3A_418 = arith.constant 0 : i32
          %get3A_419 = tpu.memref_slice %arg6[%scan3A_211, %get3A_417, %get3A_418] : memref<2x8x2048xf32, #tpu.memory_space<vmem>> -> memref<1x8x2048xf32, #tpu.memory_space<vmem>>
          %get3A_420 = tpu.memref_squeeze %get3A_419 : memref<1x8x2048xf32, #tpu.memory_space<vmem>> -> memref<8x2048xf32, #tpu.memory_space<vmem>>
          %get3A_421 = arith.constant 0 : i32
          %get3A_422 = tpu.memref_slice %get3A_420[%scan3A_201, %get3A_421] : memref<8x2048xf32, #tpu.memory_space<vmem>> -> memref<1x2048xf32, #tpu.memory_space<vmem>>
          %get3A_423 = tpu.memref_squeeze %get3A_422 : memref<1x2048xf32, #tpu.memory_space<vmem>> -> memref<2048xf32, #tpu.memory_space<vmem>>
          %get3A_424 = arith.index_cast %add3A_406 : i32 to index
          %get3A_425 = tpu.vector_load %get3A_423[%get3A_424] {strides = array<i32>} : memref<2048xf32, #tpu.memory_space<vmem>>, vector<16xf32>,
          %get3A_426 = vector.shape_cast %get3A_425 : vector<16xf32> to vector<16xf32>
          %abs3A_427 = math.absf %get3A_426 : vector<16xf32>
          %gt3A_428 = arith.constant 0.000000e+00 : f32
          %gt3A_429 = vector.broadcast %gt3A_428 : f32 to vector<16xf32>
          %gt3A_430 = arith.cmpf ogt, %abs3A_427, %gt3A_429 : vector<16xf32>
          %sub3A_431 = arith.subf %get3A_416, %get3A_426 : vector<16xf32>
          %jit3A_432 = arith.constant 0.000000e+00 : f32
          %broadcast_in_dim3A_433 = vector.broadcast %jit3A_432 : f32 to vector<16xf32>
          %select_n3A_434 = arith.select %gt3A_430, %sub3A_431, %broadcast_in_dim3A_433 : vector<16xi1>, vector<16xf32>
          %mul3A_435 = arith.mulf %select_n3A_434, %select_n3A_434 : vector<16xf32>
          %add3A_436 = arith.addf %scan3A_224, %mul3A_435 : vector<16xf32>
          %mul3A_437 = arith.constant 8 : i32
          %mul3A_438 = arith.muli %scan3A_218, %mul3A_437 : i32
          %mul3A_439 = arith.constant 16 : i32
          %mul3A_440 = arith.muli %mul3A_438, %mul3A_439 : i32
          %add3A_441 = arith.constant 96 : i32
          %add3A_442 = arith.addi %mul3A_440, %add3A_441 : i32
          %get3A_443 = arith.constant 0 : i32
          %get3A_444 = arith.constant 0 : i32
          %get3A_445 = tpu.memref_slice %arg5[%scan3A_210, %get3A_443, %get3A_444] : memref<2x8x2048xf32, #tpu.memory_space<vmem>> -> memref<1x8x2048xf32, #tpu.memory_space<vmem>>
          %get3A_446 = tpu.memref_squeeze %get3A_445 : memref<1x8x2048xf32, #tpu.memory_space<vmem>> -> memref<8x2048xf32, #tpu.memory_space<vmem>>
          %get3A_447 = arith.constant 0 : i32
          %get3A_448 = tpu.memref_slice %get3A_446[%scan3A_201, %get3A_447] : memref<8x2048xf32, #tpu.memory_space<vmem>> -> memref<1x2048xf32, #tpu.memory_space<vmem>>
          %get3A_449 = tpu.memref_squeeze %get3A_448 : memref<1x2048xf32, #tpu.memory_space<vmem>> -> memref<2048xf32, #tpu.memory_space<vmem>>
          %get3A_450 = arith.index_cast %add3A_442 : i32 to index
          %get3A_451 = tpu.vector_load %get3A_449[%get3A_450] {strides = array<i32>} : memref<2048xf32, #tpu.memory_space<vmem>>, vector<16xf32>,
          %get3A_452 = vector.shape_cast %get3A_451 : vector<16xf32> to vector<16xf32>
          %get3A_453 = arith.constant 0 : i32
          %get3A_454 = arith.constant 0 : i32
          %get3A_455 = tpu.memref_slice %arg6[%scan3A_211, %get3A_453, %get3A_454] : memref<2x8x2048xf32, #tpu.memory_space<vmem>> -> memref<1x8x2048xf32, #tpu.memory_space<vmem>>
          %get3A_456 = tpu.memref_squeeze %get3A_455 : memref<1x8x2048xf32, #tpu.memory_space<vmem>> -> memref<8x2048xf32, #tpu.memory_space<vmem>>
          %get3A_457 = arith.constant 0 : i32
          %get3A_458 = tpu.memref_slice %get3A_456[%scan3A_201, %get3A_457] : memref<8x2048xf32, #tpu.memory_space<vmem>> -> memref<1x2048xf32, #tpu.memory_space<vmem>>
          %get3A_459 = tpu.memref_squeeze %get3A_458 : memref<1x2048xf32, #tpu.memory_space<vmem>> -> memref<2048xf32, #tpu.memory_space<vmem>>
          %get3A_460 = arith.index_cast %add3A_442 : i32 to index
          %get3A_461 = tpu.vector_load %get3A_459[%get3A_460] {strides = array<i32>} : memref<2048xf32, #tpu.memory_space<vmem>>, vector<16xf32>,
          %get3A_462 = vector.shape_cast %get3A_461 : vector<16xf32> to vector<16xf32>
          %abs3A_463 = math.absf %get3A_462 : vector<16xf32>
          %gt3A_464 = arith.constant 0.000000e+00 : f32
          %gt3A_465 = vector.broadcast %gt3A_464 : f32 to vector<16xf32>
          %gt3A_466 = arith.cmpf ogt, %abs3A_463, %gt3A_465 : vector<16xf32>
          %sub3A_467 = arith.subf %get3A_452, %get3A_462 : vector<16xf32>
          %jit3A_468 = arith.constant 0.000000e+00 : f32
          %broadcast_in_dim3A_469 = vector.broadcast %jit3A_468 : f32 to vector<16xf32>
          %select_n3A_470 = arith.select %gt3A_466, %sub3A_467, %broadcast_in_dim3A_469 : vector<16xi1>, vector<16xf32>
          %mul3A_471 = arith.mulf %select_n3A_470, %select_n3A_470 : vector<16xf32>
          %add3A_472 = arith.addf %scan3A_225, %mul3A_471 : vector<16xf32>
          %mul3A_473 = arith.constant 8 : i32
          %mul3A_474 = arith.muli %scan3A_218, %mul3A_473 : i32
          %mul3A_475 = arith.constant 16 : i32
          %mul3A_476 = arith.muli %mul3A_474, %mul3A_475 : i32
          %add3A_477 = arith.constant 112 : i32
          %add3A_478 = arith.addi %mul3A_476, %add3A_477 : i32
          %get3A_479 = arith.constant 0 : i32
          %get3A_480 = arith.constant 0 : i32
          %get3A_481 = tpu.memref_slice %arg5[%scan3A_210, %get3A_479, %get3A_480] : memref<2x8x2048xf32, #tpu.memory_space<vmem>> -> memref<1x8x2048xf32, #tpu.memory_space<vmem>>
          %get3A_482 = tpu.memref_squeeze %get3A_481 : memref<1x8x2048xf32, #tpu.memory_space<vmem>> -> memref<8x2048xf32, #tpu.memory_space<vmem>>
          %get3A_483 = arith.constant 0 : i32
          %get3A_484 = tpu.memref_slice %get3A_482[%scan3A_201, %get3A_483] : memref<8x2048xf32, #tpu.memory_space<vmem>> -> memref<1x2048xf32, #tpu.memory_space<vmem>>
          %get3A_485 = tpu.memref_squeeze %get3A_484 : memref<1x2048xf32, #tpu.memory_space<vmem>> -> memref<2048xf32, #tpu.memory_space<vmem>>
          %get3A_486 = arith.index_cast %add3A_478 : i32 to index
          %get3A_487 = tpu.vector_load %get3A_485[%get3A_486] {strides = array<i32>} : memref<2048xf32, #tpu.memory_space<vmem>>, vector<16xf32>,
          %get3A_488 = vector.shape_cast %get3A_487 : vector<16xf32> to vector<16xf32>
          %get3A_489 = arith.constant 0 : i32
          %get3A_490 = arith.constant 0 : i32
          %get3A_491 = tpu.memref_slice %arg6[%scan3A_211, %get3A_489, %get3A_490] : memref<2x8x2048xf32, #tpu.memory_space<vmem>> -> memref<1x8x2048xf32, #tpu.memory_space<vmem>>
          %get3A_492 = tpu.memref_squeeze %get3A_491 : memref<1x8x2048xf32, #tpu.memory_space<vmem>> -> memref<8x2048xf32, #tpu.memory_space<vmem>>
          %get3A_493 = arith.constant 0 : i32
          %get3A_494 = tpu.memref_slice %get3A_492[%scan3A_201, %get3A_493] : memref<8x2048xf32, #tpu.memory_space<vmem>> -> memref<1x2048xf32, #tpu.memory_space<vmem>>
          %get3A_495 = tpu.memref_squeeze %get3A_494 : memref<1x2048xf32, #tpu.memory_space<vmem>> -> memref<2048xf32, #tpu.memory_space<vmem>>
          %get3A_496 = arith.index_cast %add3A_478 : i32 to index
          %get3A_497 = tpu.vector_load %get3A_495[%get3A_496] {strides = array<i32>} : memref<2048xf32, #tpu.memory_space<vmem>>, vector<16xf32>,
          %get3A_498 = vector.shape_cast %get3A_497 : vector<16xf32> to vector<16xf32>
          %abs3A_499 = math.absf %get3A_498 : vector<16xf32>
          %gt3A_500 = arith.constant 0.000000e+00 : f32
          %gt3A_501 = vector.broadcast %gt3A_500 : f32 to vector<16xf32>
          %gt3A_502 = arith.cmpf ogt, %abs3A_499, %gt3A_501 : vector<16xf32>
          %sub3A_503 = arith.subf %get3A_488, %get3A_498 : vector<16xf32>
          %jit3A_504 = arith.constant 0.000000e+00 : f32
          %broadcast_in_dim3A_505 = vector.broadcast %jit3A_504 : f32 to vector<16xf32>
          %select_n3A_506 = arith.select %gt3A_502, %sub3A_503, %broadcast_in_dim3A_505 : vector<16xi1>, vector<16xf32>
          %mul3A_507 = arith.mulf %select_n3A_506, %select_n3A_506 : vector<16xf32>
          %add3A_508 = arith.addf %scan3A_226, %mul3A_507 : vector<16xf32>
          scf.yield %add3A_256, %add3A_292, %add3A_328, %add3A_364, %add3A_400, %add3A_436, %add3A_472, %add3A_508 : vector<16xf32>, vector<16xf32>, vector<16xf32>, vector<16xf32>, vector<16xf32>, vector<16xf32>, vector<16xf32>, vector<16xf32>
        }
        %scan3A_217 = arith.constant 16 : i32
        scf.yield %scan3A_216#0, %scan3A_216#1, %scan3A_216#2, %scan3A_216#3, %scan3A_216#4, %scan3A_216#5, %scan3A_216#6, %scan3A_216#7 : vector<16xf32>, vector<16xf32>, vector<16xf32>, vector<16xf32>, vector<16xf32>, vector<16xf32>, vector<16xf32>, vector<16xf32>
      }
      %scan3A_195 = arith.constant 8 : i32
      %lt3A_196 = arith.constant 18 : i32
      %lt3A_197 = arith.cmpi slt, %add3A_153, %lt3A_196 : i32
      %convert_element_type3A_198 = arith.extui %lt3A_197 : i1 to i32
      %cond3A_199 = arith.constant 0 : i32
      %cond3A_200 = arith.cmpi ne, %convert_element_type3A_198, %cond3A_199 : i32
      scf.if %cond3A_200 {
        %add3A_201 = arith.constant 2 : i32
        %add3A_202 = arith.addi %add3A_153, %add3A_201 : i32
        %add3A_203 = arith.addi %mul3A_2, %add3A_202 : i32
        %dma_start3A_204 = arith.constant 1 : i32
        %dma_start3A_205 = arith.constant 0 : i32
        %dma_start3A_206 = arith.constant 0 : i32
        %dma_start3A_207 = tpu.memref_slice %arg5[%dma_start3A_204, %dma_start3A_205, %dma_start3A_206] : memref<2x8x2048xf32, #tpu.memory_space<vmem>> -> memref<1x8x2048xf32, #tpu.memory_space<vmem>>
        %dma_start3A_208 = tpu.memref_squeeze %dma_start3A_207 : memref<1x8x2048xf32, #tpu.memory_space<vmem>> -> memref<8x2048xf32, #tpu.memory_space<vmem>>
        %dma_start3A_209 = arith.constant 0 : i32
        %dma_start3A_210 = arith.constant 0 : i32
        %dma_start3A_211 = tpu.memref_slice %arg2[%add3A_203, %dma_start3A_209, %dma_start3A_210] : memref<2048x8x2048xf32, #tpu.memory_space<hbm>> -> memref<1x8x2048xf32, #tpu.memory_space<hbm>>
        %dma_start3A_212 = tpu.memref_squeeze %dma_start3A_211 : memref<1x8x2048xf32, #tpu.memory_space<hbm>> -> memref<8x2048xf32, #tpu.memory_space<hbm>>
        %dma_start3A_213 = arith.constant 0 : i32
        %dma_start3A_214 = arith.constant 0 : i32
        %dma_start3A_215 = tpu.memref_slice %arg5[%dma_start3A_204, %dma_start3A_213, %dma_start3A_214] : memref<2x8x2048xf32, #tpu.memory_space<vmem>> -> memref<1x8x2048xf32, #tpu.memory_space<vmem>>
        %dma_start3A_216 = tpu.memref_squeeze %dma_start3A_215 : memref<1x8x2048xf32, #tpu.memory_space<vmem>> -> memref<8x2048xf32, #tpu.memory_space<vmem>>
        %dma_start3A_217 = arith.constant 0 : i32
        %dma_start3A_218 = arith.constant 0 : i32
        %dma_start3A_219 = tpu.memref_slice %arg2[%add3A_203, %dma_start3A_217, %dma_start3A_218] : memref<2048x8x2048xf32, #tpu.memory_space<hbm>> -> memref<1x8x2048xf32, #tpu.memory_space<hbm>>
        %dma_start3A_220 = tpu.memref_squeeze %dma_start3A_219 : memref<1x8x2048xf32, #tpu.memory_space<hbm>> -> memref<8x2048xf32, #tpu.memory_space<hbm>>
        tpu.enqueue_dma source(%dma_start3A_220 : memref<8x2048xf32, #tpu.memory_space<hbm>>) target(%dma_start3A_216 : memref<8x2048xf32, #tpu.memory_space<vmem>>) target_semaphore(%arg9 : memref<!tpu.dma_semaphore, #tpu.memory_space<semaphore_mem>>)
        %add3A_221 = arith.addi %mul3A_2, %add3A_202 : i32
        %dma_start3A_222 = arith.constant 1 : i32
        %dma_start3A_223 = arith.constant 0 : i32
        %dma_start3A_224 = arith.constant 0 : i32
        %dma_start3A_225 = tpu.memref_slice %arg6[%dma_start3A_222, %dma_start3A_223, %dma_start3A_224] : memref<2x8x2048xf32, #tpu.memory_space<vmem>> -> memref<1x8x2048xf32, #tpu.memory_space<vmem>>
        %dma_start3A_226 = tpu.memref_squeeze %dma_start3A_225 : memref<1x8x2048xf32, #tpu.memory_space<vmem>> -> memref<8x2048xf32, #tpu.memory_space<vmem>>
        %dma_start3A_227 = arith.constant 0 : i32
        %dma_start3A_228 = arith.constant 0 : i32
        %dma_start3A_229 = tpu.memref_slice %arg3[%add3A_221, %dma_start3A_227, %dma_start3A_228] : memref<2048x8x2048xf32, #tpu.memory_space<hbm>> -> memref<1x8x2048xf32, #tpu.memory_space<hbm>>
        %dma_start3A_230 = tpu.memref_squeeze %dma_start3A_229 : memref<1x8x2048xf32, #tpu.memory_space<hbm>> -> memref<8x2048xf32, #tpu.memory_space<hbm>>
        %dma_start3A_231 = arith.constant 0 : i32
        %dma_start3A_232 = arith.constant 0 : i32
        %dma_start3A_233 = tpu.memref_slice %arg6[%dma_start3A_222, %dma_start3A_231, %dma_start3A_232] : memref<2x8x2048xf32, #tpu.memory_space<vmem>> -> memref<1x8x2048xf32, #tpu.memory_space<vmem>>
        %dma_start3A_234 = tpu.memref_squeeze %dma_start3A_233 : memref<1x8x2048xf32, #tpu.memory_space<vmem>> -> memref<8x2048xf32, #tpu.memory_space<vmem>>
        %dma_start3A_235 = arith.constant 0 : i32
        %dma_start3A_236 = arith.constant 0 : i32
        %dma_start3A_237 = tpu.memref_slice %arg3[%add3A_221, %dma_start3A_235, %dma_start3A_236] : memref<2048x8x2048xf32, #tpu.memory_space<hbm>> -> memref<1x8x2048xf32, #tpu.memory_space<hbm>>
        %dma_start3A_238 = tpu.memref_squeeze %dma_start3A_237 : memref<1x8x2048xf32, #tpu.memory_space<hbm>> -> memref<8x2048xf32, #tpu.memory_space<hbm>>
        tpu.enqueue_dma source(%dma_start3A_238 : memref<8x2048xf32, #tpu.memory_space<hbm>>) target(%dma_start3A_234 : memref<8x2048xf32, #tpu.memory_space<vmem>>) target_semaphore(%arg11 : memref<!tpu.dma_semaphore, #tpu.memory_space<semaphore_mem>>)
      } else {
      }
      scf.yield %scan3A_194#0, %scan3A_194#1, %scan3A_194#2, %scan3A_194#3, %scan3A_194#4, %scan3A_194#5, %scan3A_194#6, %scan3A_194#7 : vector<16xf32>, vector<16xf32>, vector<16xf32>, vector<16xf32>, vector<16xf32>, vector<16xf32>, vector<16xf32>, vector<16xf32>
    }
    %scan3A_83 = arith.constant 10 : i32
    %add3A_84 = arith.addf %scan3A_82#0, %scan3A_82#1 : vector<16xf32>
    %add3A_85 = arith.addf %add3A_84, %scan3A_82#2 : vector<16xf32>
    %add3A_86 = arith.addf %add3A_85, %scan3A_82#3 : vector<16xf32>
    %add3A_87 = arith.addf %add3A_86, %scan3A_82#4 : vector<16xf32>
    %add3A_88 = arith.addf %add3A_87, %scan3A_82#5 : vector<16xf32>
    %add3A_89 = arith.addf %add3A_88, %scan3A_82#6 : vector<16xf32>
    %add3A_90 = arith.addf %add3A_89, %scan3A_82#7 : vector<16xf32>
    %swap3A = arith.constant 0 : index
    %swap3A_91 = tpu.vector_load %arg7[%swap3A] {strides = array<i32>} : memref<16xf32, #tpu.memory_space<vmem>>, vector<16xf32>,
    %swap3A_92 = vector.shape_cast %swap3A_91 : vector<16xf32> to vector<16xf32>
    %swap3A_93 = vector.shape_cast %add3A_90 : vector<16xf32> to vector<16xf32>
    tpu.vector_store %arg7[%swap3A], %swap3A_93 {strides = array<i32>} : memref<16xf32, #tpu.memory_space<vmem>>, vector<16xf32>,
    "tpu.region"() ({
      %run_scoped3A = tpu.sem_alloc : memref<!tpu.dma_semaphore, #tpu.memory_space<semaphore_mem>>
      %dma_start3A_94 = arith.constant 0 : i32
      %dma_start3A_95 = tpu.memref_slice %arg4[%add3A, %dma_start3A_94] : memref<32x16xf32, #tpu.memory_space<hbm>> -> memref<1x16xf32, #tpu.memory_space<hbm>>
      %dma_start3A_96 = tpu.memref_squeeze %dma_start3A_95 : memref<1x16xf32, #tpu.memory_space<hbm>> -> memref<16xf32, #tpu.memory_space<hbm>>
      %dma_start3A_97 = arith.constant 0 : i32
      %dma_start3A_98 = tpu.memref_slice %arg4[%add3A, %dma_start3A_97] : memref<32x16xf32, #tpu.memory_space<hbm>> -> memref<1x16xf32, #tpu.memory_space<hbm>>
      %dma_start3A_99 = tpu.memref_squeeze %dma_start3A_98 : memref<1x16xf32, #tpu.memory_space<hbm>> -> memref<16xf32, #tpu.memory_space<hbm>>
      tpu.enqueue_dma source(%arg7 : memref<16xf32, #tpu.memory_space<vmem>>) target(%dma_start3A_99 : memref<16xf32, #tpu.memory_space<hbm>>) target_semaphore(%run_scoped3A : memref<!tpu.dma_semaphore, #tpu.memory_space<semaphore_mem>>)
      %dma_wait3A = arith.constant 0 : i32
      %dma_wait3A_100 = tpu.memref_slice %arg4[%add3A, %dma_wait3A] : memref<32x16xf32, #tpu.memory_space<hbm>> -> memref<1x16xf32, #tpu.memory_space<hbm>>
      %dma_wait3A_101 = tpu.memref_squeeze %dma_wait3A_100 : memref<1x16xf32, #tpu.memory_space<hbm>> -> memref<16xf32, #tpu.memory_space<hbm>>
      %dma_wait3A_102 = arith.constant 0 : i32
      %dma_wait3A_103 = tpu.memref_slice %arg4[%add3A, %dma_wait3A_102] : memref<32x16xf32, #tpu.memory_space<hbm>> -> memref<1x16xf32, #tpu.memory_space<hbm>>
      %dma_wait3A_104 = tpu.memref_squeeze %dma_wait3A_103 : memref<1x16xf32, #tpu.memory_space<hbm>> -> memref<16xf32, #tpu.memory_space<hbm>>
      tpu.wait_dma2 semaphore(%run_scoped3A : memref<!tpu.dma_semaphore, #tpu.memory_space<semaphore_mem>>) src(%arg7 : memref<16xf32, #tpu.memory_space<vmem>>) dst(%dma_wait3A_104 : memref<16xf32, #tpu.memory_space<hbm>>)
      tpu.yield
    }) : () -> ()
    return
  }
}

module attributes {stable_mosaic.version = 14 : i64} {
  func.func @_tc_body(%arg0: i32, %arg1: memref<512x2048xf32, #tpu.memory_space<vmem>>, %arg2: memref<512x2048xf32, #tpu.memory_space<vmem>>, %arg3: memref<1x1xf32, #tpu.memory_space<smem>>) attributes {dimension_semantics = [#tpu.dimension_semantics<arbitrary>], iteration_bounds = array<i64: 22>, scalar_prefetch = 0 : i64, scratch_operands = 0 : i64, tpu.core_type = #tpu.core_type<tc>, window_params = [{transform_indices = @transform_0, window_bounds = array<i64: 512, 2048>}, {transform_indices = @transform_1, window_bounds = array<i64: 512, 2048>}, {transform_indices = @transform_2, window_bounds = array<i64: 1, 1>}]} {
    %get3A = arith.constant 0 : index
    %get3A_0 = arith.constant 0 : index
    %get3A_1 = vector.load %arg1[%get3A, %get3A_0] : memref<512x2048xf32, #tpu.memory_space<vmem>>, vector<512x2048xf32>
    %get3A_2 = arith.constant 0 : index
    %get3A_3 = arith.constant 0 : index
    %get3A_4 = vector.load %arg2[%get3A_2, %get3A_3] : memref<512x2048xf32, #tpu.memory_space<vmem>>, vector<512x2048xf32>
    %sub3A = arith.subf %get3A_1, %get3A_4 : vector<512x2048xf32>
    %abs3A = math.absf %get3A_4 : vector<512x2048xf32>
    %gt3A = arith.constant 0.000000e+00 : f32
    %gt3A_5 = vector.broadcast %gt3A : f32 to vector<512x2048xf32>
    %gt3A_6 = arith.cmpf ogt, %abs3A, %gt3A_5 : vector<512x2048xf32>
    %mul3A = arith.mulf %sub3A, %sub3A : vector<512x2048xf32>
    %jit3A = arith.constant 0.000000e+00 : f32
    %broadcast_in_dim3A = vector.broadcast %jit3A : f32 to vector<512x2048xf32>
    %select_n3A = arith.select %gt3A_6, %mul3A, %broadcast_in_dim3A : vector<512x2048xi1>, vector<512x2048xf32>
    %reduce_sum3A = vector.shape_cast %select_n3A : vector<512x2048xf32> to vector<1x512x2048xf32>
    %reduce_sum3A_7 = arith.constant dense<0.000000e+00> : vector<1xf32>
    %reduce_sum3A_8 = vector.multi_reduction <add>, %reduce_sum3A, %reduce_sum3A_7 [1, 2] : vector<1x512x2048xf32> to vector<1xf32>
    %reduce_sum3A_9 = vector.shape_cast %reduce_sum3A_8 : vector<1xf32> to vector<1x1x1xf32>
    %reduce_sum3A_10 = vector.extract %reduce_sum3A_9[0, 0, 0] : f32 from vector<1x1x1xf32>
    %eq3A = arith.constant 0 : i32
    %eq3A_11 = arith.cmpi eq, %arg0, %eq3A : i32
    %convert_element_type3A = arith.extui %eq3A_11 : i1 to i32
    %cond3A = arith.constant 0 : i32
    %cond3A_12 = arith.cmpi ne, %convert_element_type3A, %cond3A : i32
    scf.if %cond3A_12 {
      %swap3A_18 = arith.constant 0.000000e+00 : f32
      %swap3A_19 = arith.constant 0 : index
      %swap3A_20 = arith.constant 0 : index
      %swap3A_21 = memref.load %arg3[%swap3A_19, %swap3A_20] : memref<1x1xf32, #tpu.memory_space<smem>>
      memref.store %swap3A_18, %arg3[%swap3A_19, %swap3A_20] : memref<1x1xf32, #tpu.memory_space<smem>>
    } else {
    }
    %get3A_13 = arith.constant 0 : index
    %get3A_14 = arith.constant 0 : index
    %get3A_15 = memref.load %arg3[%get3A_13, %get3A_14] : memref<1x1xf32, #tpu.memory_space<smem>>
    %add3A = arith.addf %get3A_15, %reduce_sum3A_10 : f32
    %swap3A = arith.constant 0 : index
    %swap3A_16 = arith.constant 0 : index
    %swap3A_17 = memref.load %arg3[%swap3A, %swap3A_16] : memref<1x1xf32, #tpu.memory_space<smem>>
    memref.store %add3A, %arg3[%swap3A, %swap3A_16] : memref<1x1xf32, #tpu.memory_space<smem>>
    return
  }
  func.func @transform_0(%arg0: i32) -> (i32, i32) {
    %add3A = arith.constant 10 : i32
    %add3A_0 = arith.addi %add3A, %arg0 : i32
    %c0_i32 = arith.constant 0 : i32
    %c0_i32_1 = arith.constant 0 : i32
    return %add3A_0, %c0_i32 : i32, i32
  }
  func.func @transform_1(%arg0: i32) -> (i32, i32) {
    %add3A = arith.constant 10 : i32
    %add3A_0 = arith.addi %add3A, %arg0 : i32
    %c0_i32 = arith.constant 0 : i32
    %c0_i32_1 = arith.constant 0 : i32
    return %add3A_0, %c0_i32 : i32, i32
  }
  func.func @transform_2(%arg0: i32) -> (i32, i32) {
    %c0_i32 = arith.constant 0 : i32
    %c0_i32_0 = arith.constant 0 : i32
    %c0_i32_1 = arith.constant 0 : i32
    return %c0_i32, %c0_i32_0 : i32, i32
  }
}

</mosaic_0001>

<sc_bundles>
// kernel: kernel.4.cloned.1.call-start
scs
__scs_entry_jumppad:
0x0: {  	(pc) =	sbr.rel $0x88, $3  }
0x1: {  	(tag) =	ssettag $0x0;
	lr =	simm.s32 $0x1  }
0x2: {  	[smem:$0x3F9F] =	sst lr;
	_ =	strace $0xD0000000  }
0x3: {  	_ = 	snop  }
0x4: {  	_ = 	snop  }
0x5: {  	_ = 	snop  }
0x6: {  	_ = 	snop  }
0x7: {  	_ = 	snop  }
__scs_overlays_trampoline_lowered:
0x8: {  	[smem:$0x3FAE] =	sst s0  }
0x9: {  	[smem:$0x3FAF] =	sst s1  }
0xa: {  	[smem:$0x3FB0] =	sst s2  }
0xb: {  	[smem:$0x3FB1] =	sst s3  }
0xc: {  	[smem:$0x3FB2] =	sst s4  }
0xd: {  	[smem:$0x3FB3] =	sst s5  }
0xe: {  	[smem:$0x3FB4] =	sst s6  }
0xf: {  	[smem:$0x3FB5] =	sst s7  }
0x10: {  	[smem:$0x3FB6] =	sst s8  }
0x11: {  	[smem:$0x3FB7] =	sst s9;
	s0 =	simm.s32 @!p0 $0x0  }
0x12: {  	s1 =	sld [smem:$0x3F9D];
	s0 =	simm.s32 @p0 $0x1  }
0x13: {  	[smem:$0x3FB8] =	sst s0;
	s0 =	simm.s32 @!p1 $0x0  }
0x14: {  	s2 =	sld [smem:$0x3F9C];
	s0 =	simm.s32 @p1 $0x1  }
0x15: {  	[smem:$0x3FB9] =	sst s0;
	s0 =	simm.s32 @!p2 $0x0  }
0x16: {  	s3 =	sld [smem:$0x3FDB];
	s0 =	simm.s32 @p2 $0x1  }
0x17: {  	s4 =	simm.s32 $0x1BF5;
	[smem:$0x3FBB] =	sst s0  }
0x18: {  	s0 =	sld [smem:$0x3F9E];
	_ =	swait.ge [sflag:s4], $0x0  }
0x19: {  	s7 =	sld [smem:$0x3F9F]  }
0x1a: {  	s8 =	sadd.s32 $0xFFFFE003, lr  }
0x1b: {  	s9 =	sadd.s32 $0xFFFFFEF7, lr;
	s5 =	simm.s32 $0xFFFFFFFF;
	p2 =	slt.u32 s8, $0xFFFFF086  }
0x1c: {  	p1 =	slt.u32 s9, $0xF7A;
	s5 =	simm.s32 @!p2 $0x0  }
0x1d: {  	s5 =	simm.s32 @p1 $0x1;
	p0 =	seq.s32 s7, s2  }
0x1e: {  	s7 =	smul.u32 @!p0 $0xF7A, s2;
	p2 =	seq.s32 @!p0 s5, $0x0  }
0x1f: {  	s9 =	smul.u32 $0xF7A, s1;
	s8 =	simm.s32 @!p0 $0x1BF5;
	p2 =	por !p2, p0  }
0x20: {  	[sflag:s8] =	ssyncset.s32 @!p0 $0xFFFFF086;
	s6 =	sadd.s32 @!p0 s3, s7;
	s7 =	simm.s32 @!p0 $0x108  }
0x21: {  	s3 =	sadd.s32 s3, s9;
	s6 =	sadd.s32 @!p0 $0x88, s6;
	s7 =	simm.s32 @p2 $0x1082  }
0x22: {  	[simem:s7], [sflag:s8] =	dma.local @!p0 [hbm:s6], $0xF7A  }
0x23: {  	s9 =	sor.u32 $0xD0000000, s2;
	s6 =	simm.s32 $0x108;
	_ =	swait.ge @!p0 [sflag:s8], $0x0  }
0x24: {  	s3 =	sadd.s32 $0x88, s3;
	s6 =	simm.s32 @!p1 $0x1082;
	[sflag:s4] =	ssyncset.s32 $0xFFFFF086  }
0x25: {  	[simem:s6], [sflag:s4] =	dma.local [hbm:s3], $0xF7A  }
0x26: {  	[smem:$0x3F9F] =	sst s1;
	(tag) =	ssettag s2;
	_ =	strace s9  }
0x27: {  	s1 =	sld [smem:$0x3FAF]  }
0x28: {  	s2 =	sld [smem:$0x3FB0]  }
0x29: {  	s4 =	sld [smem:$0x3FB2]  }
0x2a: {  	p0 =	seq.s32 s5, $0x0;
	s5 =	sld [smem:$0x3FB3]  }
0x2b: {  	s6 =	sld [smem:$0x3FB4]  }
0x2c: {  	s7 =	sld [smem:$0x3FB5]  }
0x2d: {  	s3 =	simm.s32 $0x108;
	s8 =	sld [smem:$0x3FB6]  }
0x2e: {  	s3 =	simm.s32 @!p0 $0x1082;
	s9 =	sld [smem:$0x3FB7]  }
0x2f: {  	lr =	sadd.s32 s0, s3;
	s0 =	sld [smem:$0x3FAE]  }
0x30: {  	s3 =	sld [smem:$0x3FB1]  }
0x31: {  	[smem:$0x3FBA] =	sst s10  }
0x32: {  	s10 =	sld [smem:$0x3FB8];
	_ =	sdelay $0x3  }
0x33: {  	p0 =	seq.s32 s10, $0x1;
	s10 =	sld [smem:$0x3FBA];
	_ =	sdelay $0x3  }
0x34: {  	[smem:$0x3FBA] =	sst s10  }
0x35: {  	s10 =	sld [smem:$0x3FB9];
	_ =	sdelay $0x3  }
0x36: {  	p1 =	seq.s32 s10, $0x1;
	s10 =	sld [smem:$0x3FBA];
	_ =	sdelay $0x3  }
0x37: {  	[smem:$0x3FBA] =	sst s10  }
0x38: {  	s10 =	sld [smem:$0x3FBB]  }
0x39: {  	_ = 	snop;
	(pc) =	sbr.ind lr, $3  }
0x3a: {  	_ = 	snop  }
0x3b: {  	_ = 	snop  }
0x3c: {  	p2 =	seq.s32 s10, $0x1;
	s10 =	sld [smem:$0x3FBA]  }
0x3d: {  	_ =	shalt  }
0x3e: {  	_ =	shalt  }
0x3f: {  	_ =	shalt  }
0x40: {  	_ =	shalt  }
0x41: {  	_ =	shalt  }
0x42: {  	_ =	shalt  }
0x43: {  	_ =	shalt  }
0x44: {  	_ =	shalt  }
0x45: {  	_ =	shalt  }
0x46: {  	_ =	shalt  }
0x47: {  	_ =	shalt  }
0x48: {  	_ =	shalt  }
0x49: {  	_ =	shalt  }
0x4a: {  	_ =	shalt  }
0x4b: {  	_ =	shalt  }
0x4c: {  	_ =	shalt  }
0x4d: {  	_ =	shalt  }
0x4e: {  	_ =	shalt  }
0x4f: {  	_ =	shalt  }
0x50: {  	_ =	shalt  }
0x51: {  	_ =	shalt  }
0x52: {  	_ =	shalt  }
0x53: {  	_ =	shalt  }
0x54: {  	_ =	shalt  }
0x55: {  	_ =	shalt  }
0x56: {  	_ =	shalt  }
0x57: {  	_ =	shalt  }
0x58: {  	_ =	shalt  }
0x59: {  	_ =	shalt  }
0x5a: {  	_ =	shalt  }
0x5b: {  	_ =	shalt  }
0x5c: {  	_ =	shalt  }
0x5d: {  	_ =	shalt  }
0x5e: {  	_ =	shalt  }
0x5f: {  	_ =	shalt  }
0x60: {  	_ =	shalt  }
0x61: {  	_ =	shalt  }
0x62: {  	_ =	shalt  }
0x63: {  	_ =	shalt  }
0x64: {  	_ =	shalt  }
0x65: {  	_ =	shalt  }
0x66: {  	_ =	shalt  }
0x67: {  	_ =	shalt  }
0x68: {  	_ =	shalt  }
0x69: {  	_ =	shalt  }
0x6a: {  	_ =	shalt  }
0x6b: {  	_ =	shalt  }
0x6c: {  	_ =	shalt  }
0x6d: {  	_ =	shalt  }
0x6e: {  	_ =	shalt  }
0x6f: {  	_ =	shalt  }
0x70: {  	_ =	shalt  }
0x71: {  	_ =	shalt  }
0x72: {  	_ =	shalt  }
0x73: {  	_ =	shalt  }
0x74: {  	_ =	shalt  }
0x75: {  	_ =	shalt  }
0x76: {  	_ =	shalt  }
0x77: {  	_ =	shalt  }
0x78: {  	_ =	shalt  }
0x79: {  	_ =	shalt  }
0x7a: {  	_ =	shalt  }
0x7b: {  	_ =	shalt  }
0x7c: {  	_ =	shalt  }
0x7d: {  	_ =	shalt  }
0x7e: {  	_ =	shalt  }
0x7f: {  	_ =	shalt  }
0x80: {  	_ =	shalt  }
0x81: {  	_ =	shalt  }
0x82: {  	_ =	shalt  }
0x83: {  	_ =	shalt  }
0x84: {  	_ =	shalt  }
0x85: {  	_ =	shalt  }
0x86: {  	_ =	shalt  }
0x87: {  	_ =	shalt  }
.Lfunc_end0:
.L_simem_size_0:
called_computation_lowered:
.L_overlay_start_0:
0x88: {  	s2 =	sld [smem:$0x3FD9]  }
0x89: {  	s3 =	sld [smem:$0x3FFE];
	_ =	sdelay $0x1  }
0x8a: {  	s1 =	srdreg.scid  }
0x8b: {  	s0 =	sand.u32 $0x1, s1  }
0x8c: {  	s17 =	sshll.u32 s0, $0xA;
	s2 =	sadd.s32 s3, s2  }
0x8d: {  	s2 =	sadd.s32 s2, s17  }
0x8e: {  	[smem:$0x3FC6] =	sst s2  }
0x8f: {  	_ = 	snop  }
0x90: {  	s2 =	sld [smem:$0x3FC9]  }
0x91: {  	s18 =	sld [smem:$0x3FC8];
	(tm) =	ssettm $0x1  }
0x92: {  	s4 =	sld [smem:$0x3FFB];
	_ =	sdelay $0x3  }
0x93: {  	_ =	strace s4  }
0x94: {  	s4 =	sld [smem:$0x3FFC];
	_ =	sdelay $0x3  }
0x95: {  	_ =	strace s4  }
0x96: {  	s4 =	sld [smem:$0x3FFD];
	_ =	sdelay $0x3  }
0x97: {  	_ =	strace s4  }
0x98: {  	_ =	strace $0x8FFFFFFF  }
0x99: {  	s19 =	sld [smem:$0x3FDB];
	_ =	sdelay $0x1  }
0x9a: {  	s5 =	simm.s32 $_scs_section_size  }
0x9b: {  	s6 =	simm.s32 $_size__tile_overlayer_lowered;
	s7 =	simm.s32 $_tile_overlayer_lowered  }
0x9c: {  	s22 =	simm.s32 $0x1BFF;
	s21 =	sshll.u32 s7, $0x1;
	s4 =	sadd.s32 s5, s19  }
0x9d: {  	s8 =	simm.s32 $0x0;
	s20 =	sshll.u32 s6, $0x1;
	s6 =	sadd.s32 s21, s4  }
0x9e: {  	[timem:s8], [sflag:s22] =	dma.local [hbm:s6], s20  }
0x9f: {  	_ =	swait.ge [sflag:s22], s20  }
0xa0: {  	s5 =	ssub.s32 $0x0, s20;
	[sflag:s22] =	ssyncset.done $0x0  }
0xa1: {  	[sflag:s22] =	ssyncadd.s32 s5;
	_ =	sdelay $0x1  }
0xa2: {  	s23 =	simm.s32 $0x1B8B  }
0xa3: {  	_ =	swait.ge [sflag:s23], $0x1  }
0xa4: {  	[sflag:s23] =	ssyncset.done $0x0  }
0xa5: {  	s25 =	simm.s32 $0x1B8E;
	s24 =	sld [smem:$0x3FFE];
	[sflag:s23] =	ssyncadd.s32 $0xFFFFFFFF  }
0xa6: {  	s26 =	simm.s32 $execute0_lowered;
	[smem:$0x3FD2] =	sst s25  }
0xa7: {  	s6 =	sshll.u32 s26, $0x1;
	_ =	strace $0x80000046;
	[dreg:$0x1] =	wrdreg $0xFFFFFFFF  }
0xa8: {  	s28 =	simm.s32 $_size_execute0_lowered;
	s4 =	sadd.s32 s4, s6;
	[dreg:$0x0] =	wrdreg $0x0  }
0xa9: {  	s6 =	sshll.u32 s28, $0x1;
	[dreg:$0x2] =	wrdreg s4  }
0xaa: {  	[dreg:$0x3] =	wrdreg s6  }
0xab: {  	[dreg:$0x4] =	wrdreg $0xC0  }
0xac: {  	_ =	task [dreg:s8], $0x5FFFF  }
0xad: {  	[dreg:$0x1] =	wrdreg $0xFFFFFFFF  }
0xae: {  	[dreg:$0x0] =	wrdreg $0x60  }
0xaf: {  	[dreg:$0x2] =	wrdreg s2  }
0xb0: {  	[dreg:$0x3] =	wrdreg s18  }
0xb1: {  	[dreg:$0x4] =	wrdreg s24  }
0xb2: {  	[dreg:$0x5] =	wrdreg $0x9  }
0xb3: {  	_ =	task.clear_ibuf [dreg:s8], $0x6FFFF;
	_ =	strace $0x90000046  }
0xb4: {  	s29 =	simm.s32 $0x9;
	_ =	strace $0x80000048  }
0xb5: {  	_ =	swait.ge [sflag:s29], $0x1  }
0xb6: {  	[sflag:s29] =	ssyncadd.s32 $0xFFFFFFFF  }
0xb7: {  	_ =	strace $0x90000048  }
0xb8: {  	_ =	sfence  }
0xb9: {  	s30 =	sld [smem:$0x0];
	_ =	sdelay $0x2  }
0xba: {  	s31 =	sshll.u32 s1, $0xD;
	s1 =	sshrl.u32 s1, $0x2  }
0xbb: {  	s3 =	sand.u32 $0x4000, s31;
	s1 =	sadd.s32 s1, s30  }
0xbc: {  	s0 =	sor.u32 s3, s0;
	s1 =	sshll.u32 s1, $0x11  }
0xbd: {  	s0 =	sor.u32 s1, s0  }
0xbe: {  	s0 =	sadd.s32 $0x8F2B, s0  }
0xbf: {  	[sflag:s0] =	ssyncadd.remote.s32 $0x1  }
0xc0: {  	_ =	sfence.sel $0xFFFF  }
0xc1: {  	[dreg:$0x0] =	wrdreg $0xFFFFFFFF;
	(pc) =	sbr.abs _section_cstart, $3  }
0xc2: {  	[dreg:$0x1] =	wrdreg $0xFFFFFFFF  }
0xc3: {  	_ =	task.clear_ibuf [dreg:s8], $0x2FFFF;
	_ =	strace $0x9FFFFFFF  }
0xc4: {  	(tm) =	ssettm $0x7FFFFFFF  }
0xc5: {  	_ =	shalt  }
tec
execute0_lowered:
.L_overlay_start_1:
0x0: {  	(tag) =	ssettag $0x1  }
0x1: {  	s2 =	rddreg [dreg:$0x0]  }
0x2: {  	s3 =	rddreg [dreg:$0x1]  }
0x3: {  	s11 =	rddreg [dreg:$0x2]  }
0x4: {  	s4 =	srdreg.scid;
	s1 =	stileid.u32  }
0x5: {  	s0 =	rddreg [dreg:$0x3];
	s14 =	simm.s32 $0x4000;
	s15 =	simm.s32 $0xC000  }
0x6: {  	s16 =	simm.s32 $0x1;
	s17 =	simm.s32 $0x3;
	s18 =	simm.s32 $0x2  }
0x7: {  	s19 =	simm.s32 $0x4;
	s5 =	sand.u32 $0x1, s4;
	s6 =	sshll.u32 s1, $0x1  }
0x8: {  	s20 =	simm.s32 $0x10000;
	s21 =	simm.s32 $0x5;
	s12 =	sor.u32 s5, s6  }
0x9: {  	s22 =	simm.s32 $0x0;
	s4 =	simm.s32 $0x0;
	s6 =	smul.u32 $0xA000, s12  }
0xa: {  	s7 =	ssub.s32 $0x2, s5;
	[smem:$0x7FF] =	sst s4;
	s10 =	smul.u32 $0x14, s12  }
.Ltmp0:
0xb: {  	s31 =	sshrl.u32 s7, $0x1;
	s12 =	sshll.u32 s12, $0x4;
	(pc) =	sbr.rel .LBB2_1-.Ltmp0, $4  }
0xc: {  	_ =	strace $0x80000047;
	s13 =	ssub.s32 s7, s31;
	s11 =	sadd.s32 s11, s12  }
0xd: {  	s5 =	sadd.s32 s2, s6;
	s8 =	sor.u32 $0x800, s6;
	s6 =	sadd.s32 s3, s6  }
0xe: {  	s9 =	sor.u32 $0x2, s10;
	s10 =	sor.u32 $0x3, s10;
	s12 =	smax.u32 s13, $0x1  }
0xf: {  	s13 =	simm.s32 $0x8000;
	s7 =	sadd.s32 s2, s8;
	s8 =	sadd.s32 s3, s8  }
.LBB2_12:
0x10: {  	v5 =	vadd.f32 v5, v6;
	_ =	sdelay $0x1  }
0x11: {  	v4 =	vadd.f32 v4, v5;
	_ =	sdelay $0x1  }
0x12: {  	v3 =	vadd.f32 v3, v4;
	_ =	sdelay $0x1  }
0x13: {  	v2 =	vadd.f32 v2, v3;
	_ =	sdelay $0x1  }
0x14: {  	v1 =	vadd.f32 v1, v2;
	_ =	sdelay $0x1  }
0x15: {  	v0 =	vadd.f32 v0, v1;
	_ =	sdelay $0x1  }
0x16: {  	s22 =	sadd.s32 $0x1, s22;
	v0 =	vadd.f32 v7, v0  }
0x17: {  	p0 =	sne.s32 s22, s12  }
.Ltmp1:
0x18: {  	[tilespmem:$0x10000] =	vst v0;
	(pc) =	sbr.rel @!p0 .LBB2_13-.Ltmp1, $4  }
0x19: {  	[hbm4b:s11+s4] =	stream.linear.scatter [tilespmem:s20], [sflag:$0x5], $0x80, $0x38;
	[tilespmem:$0x10080] =	vst v63  }
0x1a: {  	_ =	swait.ge [sflag:s21], $0x80  }
0x1b: {  	[sflag:s21] =	ssyncset.done $0x0  }
0x1c: {  	[sflag:s21] =	ssyncadd.s32 $0xFFFFFF80  }
.LBB2_1:
0x1d: {  	[tilespmem:s4], [sflag:$0x1] =	stream.linear.gather [hbm4b:s5+s4], $0x4000, $0x38;
	[tilespmem:$0x10080] =	vst v63  }
0x1e: {  	_ = 	snop  }
0x1f: {  	[tilespmem:s13], [sflag:$0x3] =	stream.linear.gather [hbm4b:s6+s4], $0x4000, $0x38;
	[tilespmem:$0x10080] =	vst v63  }
0x20: {  	_ = 	snop  }
0x21: {  	v7 =	vimm.f32 $0.0e+00;
	v0 =	vimm.f32 $0.0e+00;
	[tilespmem:s14], [sflag:$0x2] =	stream.linear.gather [hbm4b:s7+s4], $0x4000, $0x38;
	[tilespmem:$0x10080] =	vst v63  }
0x22: {  	v1 =	vimm.f32 $0.0e+00;
	v2 =	vimm.f32 $0.0e+00;
	v3 =	vimm.f32 $0.0e+00;
	s23 =	simm.s32 $0x0  }
0x23: {  	v4 =	vimm.f32 $0.0e+00;
	v5 =	vimm.f32 $0.0e+00;
	v6 =	vimm.f32 $0.0e+00;
	[tilespmem:s15], [sflag:$0x4] =	stream.linear.gather [hbm4b:s8+s4], $0x4000, $0x38;
	[tilespmem:$0x10080] =	vst v63  }
.LBB2_2:
0x24: {  	_ =	swait.ge [sflag:s16], $0x4000  }
0x25: {  	[sflag:s16] =	ssyncset.done $0x0  }
0x26: {  	[sflag:s16] =	ssyncadd.s32 $0xFFFFC000  }
0x27: {  	_ =	swait.ge [sflag:s17], $0x4000  }
0x28: {  	s24 =	simm.s32 $0x0;
	[sflag:s17] =	ssyncset.done $0x0  }
0x29: {  	s25 =	simm.s32 $0x40;
	s26 =	simm.s32 $0x8070;
	[sflag:s17] =	ssyncadd.s32 $0xFFFFC000  }
.LBB2_3:
0x2a: {  	v9 =	vmov s25  }
0x2b: {  	v8 =	vmov s26;
	_ =	sdelay $0x2  }
0x2c: {  	s28 =	simm.s32 $0x0  }
0x2d: {  	v10 =	vld.idx.msk [tilespmem:v9+s28+$0x30 ss:$0x1], $0xffff  }
0x2e: {  	v11 =	vld.idx.msk [tilespmem:v8+s28+$0x0 ss:$0x1], $0xffff  }
0x2f: {  	v12 =	vld.idx.msk [tilespmem:v9+s28+$0xFFFFFFC0 ss:$0x1], $0xffff  }
0x30: {  	v13 =	vld.idx.msk [tilespmem:v8+s28+$0xFFFFFF90 ss:$0x1], $0xffff  }
0x31: {  	v14 =	vld.idx.msk [tilespmem:v9+s28+$0xFFFFFFD0 ss:$0x1], $0xffff  }
0x32: {  	v15 =	vld.idx.msk [tilespmem:v8+s28+$0xFFFFFFA0 ss:$0x1], $0xffff  }
0x33: {  	v16 =	vld.idx.msk [tilespmem:v9+s28+$0xFFFFFFE0 ss:$0x1], $0xffff  }
0x34: {  	vm0 =	vlt.f32 v11, $0.0e+00;
	vm1 =	vgt.f32 v11, $0.0e+00;
	v10 =	vsub.f32 v10, v11;
	v11 =	vld.idx.msk [tilespmem:v8+s28+$0xFFFFFFB0 ss:$0x1], $0xffff  }
0x35: {  	v17 =	vld.idx.msk [tilespmem:v9+s28+$0xFFFFFFF0 ss:$0x1], $0xffff;
	vm2 =	vgt.f32 v13, $0.0e+00;
	vm0 =	vmor vm1, vm0;
	vm1 =	vlt.f32 v13, $0.0e+00  }
0x36: {  	v18 =	vld.idx.msk [tilespmem:v8+s28+$0xFFFFFFC0 ss:$0x1], $0xffff;
	v12 =	vsub.f32 v12, v13;
	v10 =	vnsel vm0, $0x0, v10;
	vm0 =	vmor vm2, vm1  }
0x37: {  	v13 =	vld.idx.msk [tilespmem:v9+s28+$0x0 ss:$0x1], $0xffff;
	vm1 =	vlt.f32 v15, $0.0e+00;
	vm2 =	vgt.f32 v15, $0.0e+00;
	v10 =	vmul.f32 v10, v10  }
0x38: {  	v14 =	vsub.f32 v14, v15;
	v15 =	vld.idx.msk [tilespmem:v8+s28+$0xFFFFFFD0 ss:$0x1], $0xffff;
	v12 =	vnsel vm0, $0x0, v12;
	vm0 =	vmor vm2, vm1  }
0x39: {  	v7 =	vadd.f32 v10, v7;
	vm1 =	vlt.f32 v11, $0.0e+00;
	vm2 =	vgt.f32 v11, $0.0e+00  }
0x3a: {  	v19 =	vld.idx.msk [tilespmem:v9+s28+$0x10 ss:$0x1], $0xffff;
	v16 =	vsub.f32 v16, v11;
	v10 =	vmul.f32 v12, v12;
	v11 =	vnsel vm0, $0x0, v14  }
0x3b: {  	v20 =	vld.idx.msk [tilespmem:v8+s28+$0xFFFFFFE0 ss:$0x1], $0xffff;
	vm0 =	vmor vm2, vm1;
	vm1 =	vlt.f32 v18, $0.0e+00;
	vm2 =	vgt.f32 v18, $0.0e+00  }
0x3c: {  	v12 =	vsub.f32 v17, v18;
	v14 =	vld.idx.msk [tilespmem:v9+s28+$0x20 ss:$0x1], $0xffff;
	v17 =	vnsel vm0, $0x0, v16;
	vm0 =	vmor vm2, vm1  }
0x3d: {  	vm1 =	vlt.f32 v15, $0.0e+00;
	vm2 =	vgt.f32 v15, $0.0e+00;
	v16 =	vsub.f32 v13, v15;
	v15 =	vld.idx.msk [tilespmem:v8+s28+$0xFFFFFFF0 ss:$0x1], $0xffff  }
0x3e: {  	v11 =	vmul.f32 v11, v11  }
0x3f: {  	s28 =	simm.s32 $0x400;
	v13 =	vmul.f32 v17, v17;
	v18 =	vnsel vm0, $0x0, v12;
	vm0 =	vmor vm2, vm1  }
0x40: {  	s29 =	simm.s32 $0x2000;
	v12 =	vld.idx.msk [tilespmem:v9+s28+$0x30 ss:$0x1], $0xffff;
	vm1 =	vlt.f32 v20, $0.0e+00;
	vm2 =	vgt.f32 v20, $0.0e+00;
	v17 =	vsub.f32 v19, v20  }
.LBB2_4:
0x41: {  	p0 =	sne.s32 s29, $0xF000;
	v19 =	vld.idx.msk [tilespmem:v8+s28+$0x0 ss:$0x1], $0xffff;
	v18 =	vmul.f32 v18, v18;
	v16 =	vnsel vm0, $0x0, v16;
	vm0 =	vmor vm2, vm1  }
0x42: {  	vm1 =	vlt.f32 v15, $0.0e+00;
	vm2 =	vgt.f32 v15, $0.0e+00;
	v14 =	vsub.f32 v14, v15;
	v20 =	vld.idx.msk [tilespmem:v9+s28+$0xFFFFFFC0 ss:$0x1], $0xffff  }
0x43: {  	v16 =	vmul.f32 v16, v16;
	v17 =	vnsel vm0, $0x0, v17;
	vm0 =	vmor vm2, vm1;
	v15 =	vld.idx.msk [tilespmem:v8+s28+$0xFFFFFF90 ss:$0x1], $0xffff  }
0x44: {  	v6 =	vadd.f32 v10, v6;
	v10 =	vmul.f32 v17, v17;
	v14 =	vnsel vm0, $0x0, v14;
	v21 =	vld.idx.msk [tilespmem:v9+s28+$0xFFFFFFD0 ss:$0x1], $0xffff  }
0x45: {  	v5 =	vadd.f32 v11, v5;
	v4 =	vadd.f32 v13, v4;
	v11 =	vmul.f32 v14, v14;
	v17 =	vld.idx.msk [tilespmem:v8+s28+$0xFFFFFFA0 ss:$0x1], $0xffff  }
0x46: {  	v3 =	vadd.f32 v18, v3;
	v2 =	vadd.f32 v16, v2;
	v13 =	vld.idx.msk [tilespmem:v9+s28+$0xFFFFFFE0 ss:$0x1], $0xffff  }
0x47: {  	vm0 =	vlt.f32 v19, $0.0e+00;
	vm1 =	vgt.f32 v19, $0.0e+00;
	v12 =	vsub.f32 v12, v19;
	v14 =	vld.idx.msk [tilespmem:v8+s28+$0xFFFFFFB0 ss:$0x1], $0xffff  }
0x48: {  	v1 =	vadd.f32 v10, v1;
	v0 =	vadd.f32 v11, v0;
	vm0 =	vmor vm1, vm0;
	v16 =	vld.idx.msk [tilespmem:v9+s28+$0xFFFFFFF0 ss:$0x1], $0xffff  }
0x49: {  	vm1 =	vlt.f32 v15, $0.0e+00;
	vm2 =	vgt.f32 v15, $0.0e+00;
	v10 =	vnsel vm0, $0x0, v12;
	v11 =	vld.idx.msk [tilespmem:v8+s28+$0xFFFFFFC0 ss:$0x1], $0xffff  }
0x4a: {  	v12 =	vsub.f32 v20, v15;
	vm0 =	vmor vm2, vm1;
	v10 =	vmul.f32 v10, v10;
	v18 =	vld.idx.msk [tilespmem:v9+s28+$0x0 ss:$0x1], $0xffff  }
0x4b: {  	vm1 =	vlt.f32 v17, $0.0e+00;
	vm2 =	vgt.f32 v17, $0.0e+00;
	v15 =	vsub.f32 v21, v17;
	v17 =	vld.idx.msk [tilespmem:v8+s28+$0xFFFFFFD0 ss:$0x1], $0xffff  }
0x4c: {  	v12 =	vnsel vm0, $0x0, v12;
	vm0 =	vmor vm2, vm1;
	v7 =	vadd.f32 v10, v7;
	v19 =	vld.idx.msk [tilespmem:v9+s28+$0x10 ss:$0x1], $0xffff  }
0x4d: {  	vm1 =	vlt.f32 v14, $0.0e+00;
	vm2 =	vgt.f32 v14, $0.0e+00;
	v13 =	vsub.f32 v13, v14;
	v20 =	vld.idx.msk [tilespmem:v8+s28+$0xFFFFFFE0 ss:$0x1], $0xffff  }
0x4e: {  	v10 =	vmul.f32 v12, v12;
	v12 =	vnsel vm0, $0x0, v15;
	vm0 =	vmor vm2, vm1;
	v14 =	vld.idx.msk [tilespmem:v9+s28+$0x20 ss:$0x1], $0xffff  }
.Ltmp2:
0x4f: {  	vm1 =	vlt.f32 v11, $0.0e+00;
	vm2 =	vgt.f32 v11, $0.0e+00;
	v21 =	vsub.f32 v16, v11;
	v15 =	vld.idx.msk [tilespmem:v8+s28+$0xFFFFFFF0 ss:$0x1], $0xffff;
	(pc) =	sbr.rel @p0 .LBB2_4-.Ltmp2, $4  }
0x50: {  	v11 =	vmul.f32 v12, v12;
	v12 =	vnsel vm0, $0x0, v13;
	vm0 =	vmor vm2, vm1  }
0x51: {  	vm1 =	vlt.f32 v17, $0.0e+00;
	vm2 =	vgt.f32 v17, $0.0e+00;
	v16 =	vsub.f32 v18, v17  }
0x52: {  	s28 =	sshra.s32 s29, $0x2;
	v13 =	vmul.f32 v12, v12;
	v18 =	vnsel vm0, $0x0, v21;
	vm0 =	vmor vm2, vm1  }
0x53: {  	s29 =	sadd.s32 $0x1000, s29;
	vm1 =	vlt.f32 v20, $0.0e+00;
	vm2 =	vgt.f32 v20, $0.0e+00;
	v17 =	vsub.f32 v19, v20;
	v12 =	vld.idx.msk [tilespmem:v9+s28+$0x30 ss:$0x1], $0xffff  }
0x54: {  	_ =	sdelay $0x3  }
0x55: {  	v19 =	vld.idx.msk [tilespmem:v8+s28+$0x0 ss:$0x1], $0xffff  }
0x56: {  	v20 =	vld.idx.msk [tilespmem:v9+s28+$0xFFFFFFC0 ss:$0x1], $0xffff  }
0x57: {  	v47 =	vld.idx.msk [tilespmem:v8+s28+$0xFFFFFF90 ss:$0x1], $0xffff  }
0x58: {  	v49 =	vld.idx.msk [tilespmem:v9+s28+$0xFFFFFFD0 ss:$0x1], $0xffff  }
0x59: {  	v18 =	vmul.f32 v18, v18;
	v16 =	vnsel vm0, $0x0, v16;
	v50 =	vld.idx.msk [tilespmem:v8+s28+$0xFFFFFFA0 ss:$0x1], $0xffff  }
0x5a: {  	vm13 =	vmor vm2, vm1;
	vm14 =	vlt.f32 v15, $0.0e+00;
	v14 =	vsub.f32 v14, v15;
	v52 =	vld.idx.msk [tilespmem:v9+s28+$0xFFFFFFE0 ss:$0x1], $0xffff  }
0x5b: {  	vm15 =	vgt.f32 v15, $0.0e+00;
	v6 =	vadd.f32 v10, v6;
	v5 =	vadd.f32 v11, v5;
	v53 =	vld.idx.msk [tilespmem:v8+s28+$0xFFFFFFB0 ss:$0x1], $0xffff  }
0x5c: {  	v54 =	vld.idx.msk [tilespmem:v9+s28+$0xFFFFFFF0 ss:$0x1], $0xffff;
	v45 =	vmul.f32 v16, v16;
	v46 =	vnsel vm13, $0x0, v17;
	vm4 =	vmor vm15, vm14  }
0x5d: {  	v4 =	vadd.f32 v13, v4;
	v55 =	vld.idx.msk [tilespmem:v8+s28+$0xFFFFFFC0 ss:$0x1], $0xffff;
	v48 =	vmul.f32 v46, v46;
	v14 =	vnsel vm4, $0x0, v14  }
0x5e: {  	v56 =	vld.idx.msk [tilespmem:v9+s28+$0x0 ss:$0x1], $0xffff;
	v3 =	vadd.f32 v18, v3;
	v51 =	vmul.f32 v14, v14;
	v2 =	vadd.f32 v45, v2  }
0x5f: {  	v57 =	vld.idx.msk [tilespmem:v8+s28+$0xFFFFFFD0 ss:$0x1], $0xffff;
	v1 =	vadd.f32 v48, v1;
	vm5 =	vlt.f32 v19, $0.0e+00;
	vm6 =	vgt.f32 v19, $0.0e+00  }
0x60: {  	v12 =	vsub.f32 v12, v19;
	v0 =	vadd.f32 v51, v0;
	vm7 =	vlt.f32 v47, $0.0e+00  }
0x61: {  	v59 =	vld.idx.msk [tilespmem:v8+s28+$0xFFFFFFE0 ss:$0x1], $0xffff;
	vm8 =	vgt.f32 v47, $0.0e+00;
	v17 =	vsub.f32 v20, v47;
	vm10 =	vlt.f32 v50, $0.0e+00  }
0x62: {  	v8 =	vld.idx.msk [tilespmem:v8+s28+$0xFFFFFFF0 ss:$0x1], $0xffff;
	vm11 =	vgt.f32 v50, $0.0e+00;
	v11 =	vsub.f32 v49, v50;
	vm13 =	vlt.f32 v53, $0.0e+00  }
0x63: {  	v60 =	vld.idx.msk [tilespmem:v9+s28+$0x20 ss:$0x1], $0xffff;
	vm14 =	vgt.f32 v53, $0.0e+00;
	v14 =	vsub.f32 v52, v53;
	vm4 =	vlt.f32 v55, $0.0e+00  }
0x64: {  	v10 =	vsub.f32 v54, v55;
	v62 =	vsub.f32 v56, v57;
	vm0 =	vmor vm6, vm5  }
0x65: {  	vm9 =	vmor vm8, vm7;
	vm12 =	vmor vm11, vm10;
	vm15 =	vmor vm14, vm13  }
0x66: {  	vm5 =	vgt.f32 v55, $0.0e+00;
	vm7 =	vlt.f32 v57, $0.0e+00;
	vm8 =	vgt.f32 v57, $0.0e+00  }
0x67: {  	vm10 =	vlt.f32 v59, $0.0e+00;
	vm11 =	vgt.f32 v59, $0.0e+00;
	vm13 =	vlt.f32 v8, $0.0e+00  }
0x68: {  	v58 =	vld.idx.msk [tilespmem:v9+s28+$0x10 ss:$0x1], $0xffff;
	vm14 =	vgt.f32 v8, $0.0e+00;
	v8 =	vsub.f32 v60, v8;
	v12 =	vnsel vm0, $0x0, v12  }
0x69: {  	v17 =	vnsel vm9, $0x0, v17;
	v11 =	vnsel vm12, $0x0, v11;
	v61 =	vnsel vm15, $0x0, v14  }
0x6a: {  	vm6 =	vmor vm5, vm4;
	vm9 =	vmor vm8, vm7;
	vm12 =	vmor vm11, vm10  }
0x6b: {  	vm15 =	vmor vm14, vm13;
	v12 =	vmul.f32 v12, v12;
	v17 =	vmul.f32 v17, v17  }
0x6c: {  	s24 =	sadd.s32 $0x1, s24;
	v11 =	vmul.f32 v11, v11;
	v13 =	vmul.f32 v61, v61;
	v10 =	vnsel vm6, $0x0, v10  }
0x6d: {  	p0 =	sne.s32 s24, $0x8;
	v14 =	vnsel vm9, $0x0, v62;
	v7 =	vadd.f32 v12, v7;
	v12 =	vsub.f32 v58, v59  }
.Ltmp3:
0x6e: {  	v8 =	vnsel vm15, $0x0, v8;
	v10 =	vmul.f32 v10, v10;
	v63 =	vmul.f32 v14, v14;
	(pc) =	sbr.rel @p0 .LBB2_3-.Ltmp3, $4  }
0x6f: {  	v8 =	vmul.f32 v8, v8;
	v6 =	vadd.f32 v17, v6;
	v12 =	vnsel vm12, $0x0, v12  }
0x70: {  	v5 =	vadd.f32 v11, v5;
	v4 =	vadd.f32 v13, v4;
	v12 =	vmul.f32 v12, v12  }
0x71: {  	v3 =	vadd.f32 v10, v3;
	v2 =	vadd.f32 v63, v2  }
0x72: {  	s25 =	sadd.s32 $0x80, s25;
	s26 =	sadd.s32 $0x80, s26;
	v0 =	vadd.f32 v8, v0;
	v1 =	vadd.f32 v12, v1  }
0x73: {  	s24 =	sshll.u32 s23, $0x1;
	p0 =	seq.s32 s23, $0x9  }
0x74: {  	s25 =	sadd.s32 @!p0 s24, s9  }
0x75: {  	s25 =	sshll.u32 @!p0 s25, $0xB  }
0x76: {  	s25 =	sand.u32 @!p0 $0x1FFFF000, s25  }
0x77: {  	s28 =	simm.s32 @!p0 $0x0;
	s26 =	sadd.s32 @!p0 s2, s25  }
0x78: {  	[tilespmem:s28], [sflag:$0x1] =	stream.linear.gather @!p0 [hbm4b:s26+s28], $0x4000, $0x38;
	[tilespmem:$0x10080] =	vst v63  }
0x79: {  	s25 =	sadd.s32 @!p0 s3, s25;
	s26 =	simm.s32 @!p0 $0x8000  }
0x7a: {  	[tilespmem:s26], [sflag:$0x3] =	stream.linear.gather @!p0 [hbm4b:s25+s28], $0x4000, $0x38;
	[tilespmem:$0x10080] =	vst v63  }
0x7b: {  	_ =	swait.ge [sflag:s18], $0x4000  }
0x7c: {  	[sflag:s18] =	ssyncset.done $0x0  }
0x7d: {  	[sflag:s18] =	ssyncadd.s32 $0xFFFFC000  }
0x7e: {  	_ =	swait.ge [sflag:s19], $0x4000  }
0x7f: {  	s25 =	simm.s32 $0x0;
	[sflag:s19] =	ssyncset.done $0x0  }
0x80: {  	s26 =	simm.s32 $0x8000;
	s28 =	simm.s32 $0x0;
	[sflag:s19] =	ssyncadd.s32 $0xFFFFC000  }
.LBB2_7:
0x81: {  	v9 =	vmov s25  }
0x82: {  	v8 =	vmov s26;
	_ =	sdelay $0x2  }
0x83: {  	s29 =	simm.s32 $0x0  }
0x84: {  	v10 =	vld.idx.msk [tilespmem:v9+s29+$0x4070 ss:$0x1], $0xffff  }
0x85: {  	v11 =	vld.idx.msk [tilespmem:v8+s29+$0x4070 ss:$0x1], $0xffff  }
0x86: {  	v12 =	vld.idx.msk [tilespmem:v9+s29+$0x4000 ss:$0x1], $0xffff  }
0x87: {  	v13 =	vld.idx.msk [tilespmem:v8+s29+$0x4000 ss:$0x1], $0xffff  }
0x88: {  	v14 =	vld.idx.msk [tilespmem:v9+s29+$0x4010 ss:$0x1], $0xffff  }
0x89: {  	v15 =	vld.idx.msk [tilespmem:v8+s29+$0x4010 ss:$0x1], $0xffff  }
0x8a: {  	v16 =	vld.idx.msk [tilespmem:v9+s29+$0x4020 ss:$0x1], $0xffff  }
0x8b: {  	vm0 =	vlt.f32 v11, $0.0e+00;
	vm1 =	vgt.f32 v11, $0.0e+00;
	v10 =	vsub.f32 v10, v11;
	v11 =	vld.idx.msk [tilespmem:v8+s29+$0x4020 ss:$0x1], $0xffff  }
0x8c: {  	v17 =	vld.idx.msk [tilespmem:v9+s29+$0x4030 ss:$0x1], $0xffff;
	vm2 =	vgt.f32 v13, $0.0e+00;
	vm0 =	vmor vm1, vm0;
	vm1 =	vlt.f32 v13, $0.0e+00  }
0x8d: {  	v18 =	vld.idx.msk [tilespmem:v8+s29+$0x4030 ss:$0x1], $0xffff;
	v12 =	vsub.f32 v12, v13;
	v10 =	vnsel vm0, $0x0, v10;
	vm0 =	vmor vm2, vm1  }
0x8e: {  	v13 =	vld.idx.msk [tilespmem:v9+s29+$0x4040 ss:$0x1], $0xffff;
	vm1 =	vlt.f32 v15, $0.0e+00;
	vm2 =	vgt.f32 v15, $0.0e+00;
	v10 =	vmul.f32 v10, v10  }
0x8f: {  	v14 =	vsub.f32 v14, v15;
	v15 =	vld.idx.msk [tilespmem:v8+s29+$0x4040 ss:$0x1], $0xffff;
	v12 =	vnsel vm0, $0x0, v12;
	vm0 =	vmor vm2, vm1  }
0x90: {  	v7 =	vadd.f32 v10, v7;
	vm1 =	vlt.f32 v11, $0.0e+00;
	vm2 =	vgt.f32 v11, $0.0e+00  }
0x91: {  	v19 =	vld.idx.msk [tilespmem:v9+s29+$0x4050 ss:$0x1], $0xffff;
	v16 =	vsub.f32 v16, v11;
	v10 =	vmul.f32 v12, v12;
	v11 =	vnsel vm0, $0x0, v14  }
0x92: {  	v20 =	vld.idx.msk [tilespmem:v8+s29+$0x4050 ss:$0x1], $0xffff;
	vm0 =	vmor vm2, vm1;
	vm1 =	vlt.f32 v18, $0.0e+00;
	vm2 =	vgt.f32 v18, $0.0e+00  }
0x93: {  	v12 =	vsub.f32 v17, v18;
	v14 =	vld.idx.msk [tilespmem:v9+s29+$0x4060 ss:$0x1], $0xffff;
	v17 =	vnsel vm0, $0x0, v16;
	vm0 =	vmor vm2, vm1  }
0x94: {  	vm1 =	vlt.f32 v15, $0.0e+00;
	vm2 =	vgt.f32 v15, $0.0e+00;
	v16 =	vsub.f32 v13, v15;
	v15 =	vld.idx.msk [tilespmem:v8+s29+$0x4060 ss:$0x1], $0xffff  }
0x95: {  	v11 =	vmul.f32 v11, v11  }
0x96: {  	s29 =	simm.s32 $0x400;
	v13 =	vmul.f32 v17, v17;
	v18 =	vnsel vm0, $0x0, v12;
	vm0 =	vmor vm2, vm1  }
0x97: {  	s30 =	simm.s32 $0x2000;
	v12 =	vld.idx.msk [tilespmem:v9+s29+$0x4070 ss:$0x1], $0xffff;
	vm1 =	vlt.f32 v20, $0.0e+00;
	vm2 =	vgt.f32 v20, $0.0e+00;
	v17 =	vsub.f32 v19, v20  }
.LBB2_8:
0x98: {  	p1 =	sne.s32 s30, $0xF000;
	v19 =	vld.idx.msk [tilespmem:v8+s29+$0x4070 ss:$0x1], $0xffff;
	v18 =	vmul.f32 v18, v18;
	v16 =	vnsel vm0, $0x0, v16;
	vm0 =	vmor vm2, vm1  }
0x99: {  	vm1 =	vlt.f32 v15, $0.0e+00;
	vm2 =	vgt.f32 v15, $0.0e+00;
	v14 =	vsub.f32 v14, v15;
	v20 =	vld.idx.msk [tilespmem:v9+s29+$0x4000 ss:$0x1], $0xffff  }
0x9a: {  	v16 =	vmul.f32 v16, v16;
	v17 =	vnsel vm0, $0x0, v17;
	vm0 =	vmor vm2, vm1;
	v15 =	vld.idx.msk [tilespmem:v8+s29+$0x4000 ss:$0x1], $0xffff  }
0x9b: {  	v6 =	vadd.f32 v10, v6;
	v10 =	vmul.f32 v17, v17;
	v14 =	vnsel vm0, $0x0, v14;
	v21 =	vld.idx.msk [tilespmem:v9+s29+$0x4010 ss:$0x1], $0xffff  }
0x9c: {  	v5 =	vadd.f32 v11, v5;
	v4 =	vadd.f32 v13, v4;
	v11 =	vmul.f32 v14, v14;
	v17 =	vld.idx.msk [tilespmem:v8+s29+$0x4010 ss:$0x1], $0xffff  }
0x9d: {  	v3 =	vadd.f32 v18, v3;
	v2 =	vadd.f32 v16, v2;
	v13 =	vld.idx.msk [tilespmem:v9+s29+$0x4020 ss:$0x1], $0xffff  }
0x9e: {  	vm0 =	vlt.f32 v19, $0.0e+00;
	vm1 =	vgt.f32 v19, $0.0e+00;
	v12 =	vsub.f32 v12, v19;
	v14 =	vld.idx.msk [tilespmem:v8+s29+$0x4020 ss:$0x1], $0xffff  }
0x9f: {  	v1 =	vadd.f32 v10, v1;
	v0 =	vadd.f32 v11, v0;
	vm0 =	vmor vm1, vm0;
	v16 =	vld.idx.msk [tilespmem:v9+s29+$0x4030 ss:$0x1], $0xffff  }
0xa0: {  	vm1 =	vlt.f32 v15, $0.0e+00;
	vm2 =	vgt.f32 v15, $0.0e+00;
	v10 =	vnsel vm0, $0x0, v12;
	v11 =	vld.idx.msk [tilespmem:v8+s29+$0x4030 ss:$0x1], $0xffff  }
0xa1: {  	v12 =	vsub.f32 v20, v15;
	vm0 =	vmor vm2, vm1;
	v10 =	vmul.f32 v10, v10;
	v18 =	vld.idx.msk [tilespmem:v9+s29+$0x4040 ss:$0x1], $0xffff  }
0xa2: {  	vm1 =	vlt.f32 v17, $0.0e+00;
	vm2 =	vgt.f32 v17, $0.0e+00;
	v15 =	vsub.f32 v21, v17;
	v17 =	vld.idx.msk [tilespmem:v8+s29+$0x4040 ss:$0x1], $0xffff  }
0xa3: {  	v12 =	vnsel vm0, $0x0, v12;
	vm0 =	vmor vm2, vm1;
	v7 =	vadd.f32 v10, v7;
	v19 =	vld.idx.msk [tilespmem:v9+s29+$0x4050 ss:$0x1], $0xffff  }
0xa4: {  	vm1 =	vlt.f32 v14, $0.0e+00;
	vm2 =	vgt.f32 v14, $0.0e+00;
	v13 =	vsub.f32 v13, v14;
	v20 =	vld.idx.msk [tilespmem:v8+s29+$0x4050 ss:$0x1], $0xffff  }
0xa5: {  	v10 =	vmul.f32 v12, v12;
	v12 =	vnsel vm0, $0x0, v15;
	vm0 =	vmor vm2, vm1;
	v14 =	vld.idx.msk [tilespmem:v9+s29+$0x4060 ss:$0x1], $0xffff  }
.Ltmp4:
0xa6: {  	vm1 =	vlt.f32 v11, $0.0e+00;
	vm2 =	vgt.f32 v11, $0.0e+00;
	v21 =	vsub.f32 v16, v11;
	v15 =	vld.idx.msk [tilespmem:v8+s29+$0x4060 ss:$0x1], $0xffff;
	(pc) =	sbr.rel @p1 .LBB2_8-.Ltmp4, $4  }
0xa7: {  	v11 =	vmul.f32 v12, v12;
	v12 =	vnsel vm0, $0x0, v13;
	vm0 =	vmor vm2, vm1  }
0xa8: {  	vm1 =	vlt.f32 v17, $0.0e+00;
	vm2 =	vgt.f32 v17, $0.0e+00;
	v16 =	vsub.f32 v18, v17  }
0xa9: {  	s29 =	sshra.s32 s30, $0x2;
	v13 =	vmul.f32 v12, v12;
	v18 =	vnsel vm0, $0x0, v21;
	vm0 =	vmor vm2, vm1  }
0xaa: {  	s30 =	sadd.s32 $0x1000, s30;
	vm1 =	vlt.f32 v20, $0.0e+00;
	vm2 =	vgt.f32 v20, $0.0e+00;
	v17 =	vsub.f32 v19, v20;
	v12 =	vld.idx.msk [tilespmem:v9+s29+$0x4070 ss:$0x1], $0xffff  }
0xab: {  	_ =	sdelay $0x3  }
0xac: {  	v19 =	vld.idx.msk [tilespmem:v8+s29+$0x4070 ss:$0x1], $0xffff  }
0xad: {  	v20 =	vld.idx.msk [tilespmem:v9+s29+$0x4000 ss:$0x1], $0xffff  }
0xae: {  	v47 =	vld.idx.msk [tilespmem:v8+s29+$0x4000 ss:$0x1], $0xffff  }
0xaf: {  	v49 =	vld.idx.msk [tilespmem:v9+s29+$0x4010 ss:$0x1], $0xffff  }
0xb0: {  	v18 =	vmul.f32 v18, v18;
	v16 =	vnsel vm0, $0x0, v16;
	v50 =	vld.idx.msk [tilespmem:v8+s29+$0x4010 ss:$0x1], $0xffff  }
0xb1: {  	vm13 =	vmor vm2, vm1;
	vm14 =	vlt.f32 v15, $0.0e+00;
	v14 =	vsub.f32 v14, v15;
	v52 =	vld.idx.msk [tilespmem:v9+s29+$0x4020 ss:$0x1], $0xffff  }
0xb2: {  	vm15 =	vgt.f32 v15, $0.0e+00;
	v6 =	vadd.f32 v10, v6;
	v5 =	vadd.f32 v11, v5;
	v53 =	vld.idx.msk [tilespmem:v8+s29+$0x4020 ss:$0x1], $0xffff  }
0xb3: {  	v54 =	vld.idx.msk [tilespmem:v9+s29+$0x4030 ss:$0x1], $0xffff;
	v45 =	vmul.f32 v16, v16;
	v46 =	vnsel vm13, $0x0, v17;
	vm4 =	vmor vm15, vm14  }
0xb4: {  	v4 =	vadd.f32 v13, v4;
	v55 =	vld.idx.msk [tilespmem:v8+s29+$0x4030 ss:$0x1], $0xffff;
	v48 =	vmul.f32 v46, v46;
	v14 =	vnsel vm4, $0x0, v14  }
0xb5: {  	v56 =	vld.idx.msk [tilespmem:v9+s29+$0x4040 ss:$0x1], $0xffff;
	v3 =	vadd.f32 v18, v3;
	v51 =	vmul.f32 v14, v14;
	v2 =	vadd.f32 v45, v2  }
0xb6: {  	v57 =	vld.idx.msk [tilespmem:v8+s29+$0x4040 ss:$0x1], $0xffff;
	v1 =	vadd.f32 v48, v1;
	vm5 =	vlt.f32 v19, $0.0e+00;
	vm6 =	vgt.f32 v19, $0.0e+00  }
0xb7: {  	v12 =	vsub.f32 v12, v19;
	v0 =	vadd.f32 v51, v0;
	vm7 =	vlt.f32 v47, $0.0e+00  }
0xb8: {  	v59 =	vld.idx.msk [tilespmem:v8+s29+$0x4050 ss:$0x1], $0xffff;
	vm8 =	vgt.f32 v47, $0.0e+00;
	v17 =	vsub.f32 v20, v47;
	vm10 =	vlt.f32 v50, $0.0e+00  }
0xb9: {  	v8 =	vld.idx.msk [tilespmem:v8+s29+$0x4060 ss:$0x1], $0xffff;
	vm11 =	vgt.f32 v50, $0.0e+00;
	v11 =	vsub.f32 v49, v50;
	vm13 =	vlt.f32 v53, $0.0e+00  }
0xba: {  	v60 =	vld.idx.msk [tilespmem:v9+s29+$0x4060 ss:$0x1], $0xffff;
	vm14 =	vgt.f32 v53, $0.0e+00;
	v14 =	vsub.f32 v52, v53;
	vm4 =	vlt.f32 v55, $0.0e+00  }
0xbb: {  	v10 =	vsub.f32 v54, v55;
	v62 =	vsub.f32 v56, v57;
	vm0 =	vmor vm6, vm5  }
0xbc: {  	vm9 =	vmor vm8, vm7;
	vm12 =	vmor vm11, vm10;
	vm15 =	vmor vm14, vm13  }
0xbd: {  	vm5 =	vgt.f32 v55, $0.0e+00;
	vm7 =	vlt.f32 v57, $0.0e+00;
	vm8 =	vgt.f32 v57, $0.0e+00  }
0xbe: {  	vm10 =	vlt.f32 v59, $0.0e+00;
	vm11 =	vgt.f32 v59, $0.0e+00;
	vm13 =	vlt.f32 v8, $0.0e+00  }
0xbf: {  	v58 =	vld.idx.msk [tilespmem:v9+s29+$0x4050 ss:$0x1], $0xffff;
	vm14 =	vgt.f32 v8, $0.0e+00;
	v8 =	vsub.f32 v60, v8;
	v12 =	vnsel vm0, $0x0, v12  }
0xc0: {  	v17 =	vnsel vm9, $0x0, v17;
	v11 =	vnsel vm12, $0x0, v11;
	v61 =	vnsel vm15, $0x0, v14  }
0xc1: {  	vm6 =	vmor vm5, vm4;
	vm9 =	vmor vm8, vm7;
	vm12 =	vmor vm11, vm10  }
0xc2: {  	vm15 =	vmor vm14, vm13;
	v12 =	vmul.f32 v12, v12;
	v17 =	vmul.f32 v17, v17  }
0xc3: {  	s28 =	sadd.s32 $0x1, s28;
	v11 =	vmul.f32 v11, v11;
	v13 =	vmul.f32 v61, v61;
	v10 =	vnsel vm6, $0x0, v10  }
0xc4: {  	p1 =	sne.s32 s28, $0x8;
	v14 =	vnsel vm9, $0x0, v62;
	v7 =	vadd.f32 v12, v7;
	v12 =	vsub.f32 v58, v59  }
.Ltmp5:
0xc5: {  	v8 =	vnsel vm15, $0x0, v8;
	v10 =	vmul.f32 v10, v10;
	v63 =	vmul.f32 v14, v14;
	(pc) =	sbr.rel @p1 .LBB2_7-.Ltmp5, $4  }
0xc6: {  	v8 =	vmul.f32 v8, v8;
	v6 =	vadd.f32 v17, v6;
	v12 =	vnsel vm12, $0x0, v12  }
0xc7: {  	v5 =	vadd.f32 v11, v5;
	v4 =	vadd.f32 v13, v4;
	v12 =	vmul.f32 v12, v12  }
0xc8: {  	v3 =	vadd.f32 v10, v3;
	v2 =	vadd.f32 v63, v2  }
0xc9: {  	s25 =	sadd.s32 $0x80, s25;
	s26 =	sadd.s32 $0x80, s26;
	v0 =	vadd.f32 v8, v0;
	v1 =	vadd.f32 v12, v1  }
.Ltmp6:
0xca: {  	(pc) =	sbr.rel @p0 .LBB2_12-.Ltmp6, $1  }
0xcb: {  	_ =	sdelay $0x3  }
0xcc: {  	s24 =	sadd.s32 s24, s10  }
0xcd: {  	s24 =	sshll.u32 s24, $0xB  }
.Ltmp7:
0xce: {  	s24 =	sand.u32 $0x1FFFF800, s24;
	(pc) =	sbr.rel .LBB2_2-.Ltmp7, $4  }
0xcf: {  	s25 =	sadd.s32 s2, s24  }
0xd0: {  	[tilespmem:s14], [sflag:$0x2] =	stream.linear.gather [hbm4b:s25+s4], $0x4000, $0x38;
	[tilespmem:$0x10080] =	vst v63  }
0xd1: {  	s23 =	sadd.s32 $0x1, s23;
	s24 =	sadd.s32 s3, s24  }
0xd2: {  	[tilespmem:s15], [sflag:$0x4] =	stream.linear.gather [hbm4b:s24+s4], $0x4000, $0x38;
	[tilespmem:$0x10080] =	vst v63  }
.LBB2_13:
0xd3: {  	_ =	sfence.sel $0x180000  }
0xd4: {  	[bflag:$0x0] =	sbarrier.arrive $0xFFFF  }
0xd5: {  	p0 =	sne.s32 s1, $0x0;
	_ =	strace $0x90000047  }
0xd6: {  	s0 =	sadd.s32 @!p0 $0x100000, s0;
	[bflag:$0x2] =	sbarrier.arrive $0xFFFF  }
0xd7: {  	[sflag:s0] =	ssyncadd.tile.s32 @!p0 $0x1;
	_ =	shalt  }
.Lfunc_end2:
_tile_overlayer_lowered:
.L_overlay_start_2:
0xd8: {  	(tag) =	ssettag $0x2  }
0xd9: {  	s0 =	rddreg [dreg:$0x0];
	s2 =	stileid.u32  }
0xda: {  	s1 =	rddreg [dreg:$0x1];
	p0 =	sne.s32 s2, $0x0  }
0xdb: {  	s3 =	rddreg [dreg:$0x2];
	[bflag:$0x3] =	sbarrier.arrive $0xFFFF;
	s2 =	simm.s32 @!p0 $0x1C05  }
0xdc: {  	[timem:s3], [sflag:s2] =	dma.local @!p0 [hbm:s0], s1  }
0xdd: {  	s0 =	simm.s32 @!p0 $0x5  }
0xde: {  	_ =	swait.ge @!p0 [sflag:s0], s1  }
0xdf: {  	s1 =	ssub.s32 @!p0 $0x0, s1;
	[sflag:s0] =	ssyncset.done @!p0 $0x0  }
0xe0: {  	[sflag:s0] =	ssyncadd.s32 @!p0 s1  }
0xe1: {  	[bflag:$0x3] =	sbarrier.arrive $0xFFFF  }
0xe2: {  	_ =	shalt  }

</sc_bundles>
